<compile_context>
chip_gen: v7x
topology: tpu7x:2x2x1
jax: 0.10.2.dev20260603
libtpu: 0.0.44.dev20260713+nightly
codegen_flags: <defaults>
</compile_context>

<pallas_src>
import functools

import jax
import jax.numpy as jnp
from jax import lax
from jax.experimental import pallas as pl
from jax.experimental.pallas import tpu as pltpu
from jax.experimental.pallas import tpu_sc as plsc

D = 128
B_ROWS = 1024
B_COLS = 200
B = B_ROWS * B_COLS
NC = 2
NS = 16
NW = NC * NS
CH = 128
B_PER_W = B // NW
N_CHUNKS = B_PER_W // CH
NB = 5
PD = 3

_mesh = plsc.VectorSubcoreMesh(core_axis_name="c", subcore_axis_name="s")


@functools.partial(
    pl.kernel,
    mesh=_mesh,
    out_type=jax.ShapeDtypeStruct((B, D), jnp.float32),
    scratch_types=[
        pltpu.VMEM((N_CHUNKS, CH), jnp.int32),
        pltpu.VMEM((NB, CH, D), jnp.float32),
        pltpu.SemaphoreType.DMA((NB,)),
        pltpu.SemaphoreType.DMA((NB,)),
    ],
)
def _gather_kernel(idx_hbm, table_hbm, out_hbm, idx_v, rows_v, gsem, wsem):
    wid = lax.axis_index("s") * NC + lax.axis_index("c")
    base = wid * B_PER_W
    pltpu.sync_copy(idx_hbm.at[wid], idx_v)

    for b in range(PD):
        pltpu.async_copy(table_hbm.at[idx_v.at[b]], rows_v.at[b], gsem.at[b])

    def outer(g, carry):
        for b in range(NB):
            j = g * NB + b
            f = j + PD
            fb = (b + PD) % NB
            @pl.when(jnp.logical_and(f >= NB, f < N_CHUNKS))
            def _():
                pltpu.make_async_copy(
                    rows_v.at[fb],
                    out_hbm.at[pl.ds(base + (f - NB) * CH, CH)],
                    wsem.at[fb],
                ).wait()

            @pl.when(f < N_CHUNKS)
            def _():
                pltpu.async_copy(
                    table_hbm.at[idx_v.at[f]], rows_v.at[fb], gsem.at[fb])

            pltpu.make_async_copy(
                table_hbm.at[idx_v.at[j]], rows_v.at[b], gsem.at[b]).wait()
            pltpu.async_copy(
                rows_v.at[b], out_hbm.at[pl.ds(base + j * CH, CH)], wsem.at[b])
        return carry

    lax.fori_loop(0, N_CHUNKS // NB, outer, 0)

    for b in range(NB):
        j = N_CHUNKS - NB + b
        pltpu.make_async_copy(
            rows_v.at[b], out_hbm.at[pl.ds(base + j * CH, CH)], wsem.at[b]
        ).wait()


def kernel(batch, emb_table):
    idx3 = batch.reshape(NW, N_CHUNKS, CH)
    out = _gather_kernel(idx3, emb_table)
    return out.reshape(B_ROWS, B_COLS, D)

# --- scband reference (transcript-rebuilt; emitter-appended) ---
"""Pipeline reference for scband-predictor-17549236371486 (READ-ONLY COPY).

The authoritative reference and input builder live on the scoring server;
editing this copy changes nothing except your own understanding.
"""

import jax, jax.numpy as jnp
import numpy as np

N_TOKENS = 100000
EMB_DIM = 128
PADDING_TOKEN = N_TOKENS

def setup_inputs(seed: int = 0) -> dict:
    key = jax.random.key(seed)
    k1, k2 = jax.random.split(key)
    batch = jax.random.randint(k1, (1024, 200), 0, 100000, dtype=jnp.int64 if jax.config.read('jax_enable_x64') else jnp.int32).astype(jnp.int32)
    emb_table = jax.random.normal(k2, (N_TOKENS + 1, EMB_DIM), dtype=jnp.float32)
    # padding_idx row is zero-initialized in nn.Embedding with padding_idx
    emb_table = emb_table.at[PADDING_TOKEN].set(0.0)
    return {"batch": batch, "emb_table": emb_table}

def reference(batch, emb_table):
    # nn.Embedding lookup: gather rows of the table by token index
    out = jnp.take(emb_table, batch, axis=0)
    return out

if __name__ == "__main__":
    import jax
    _d = setup_inputs()
    print(jax.jit(kernel)(*tuple(_d.values())))

</pallas_src>

<mosaic_0001>
#map = affine_map<(d0, d1) -> (0, 0, 0)>
#map1 = affine_map<(d0, d1) -> (0, 0)>
module attributes {stable_mosaic.version = 14 : i64} {
  func.func @_gather_kernel(%arg0: i32, %arg1: i32, %arg2: memref<32x50x128xi32, #tpu.memory_space<hbm>>, %arg3: memref<100001x128xf32, #tpu.memory_space<hbm>>, %arg4: memref<204800x128xf32, #tpu.memory_space<hbm>>, %arg5: memref<50x128xi32, #tpu.memory_space<vmem>>, %arg6: memref<5x128x128xf32, #tpu.memory_space<vmem>>, %arg7: memref<5x!tpu.dma_semaphore, #tpu.memory_space<semaphore_mem>>, %arg8: memref<5x!tpu.dma_semaphore, #tpu.memory_space<semaphore_mem>>) attributes {dimension_semantics = [#tpu.dimension_semantics<core_parallel>, #tpu.dimension_semantics<subcore_parallel>], iteration_bounds = array<i64: 2, 16>, scalar_prefetch = 0 : i64, scratch_operands = 4 : i64, tpu.core_type = #tpu.core_type<sc_vector_subcore>, window_params = [{transform_indices = #map}, {transform_indices = #map1}, {transform_indices = #map1}]} {
    %mul3A = arith.constant 2 : i32
    %mul3A_0 = arith.muli %arg1, %mul3A : i32
    %add3A = arith.addi %mul3A_0, %arg0 : i32
    %mul3A_1 = arith.constant 6400 : i32
    %mul3A_2 = arith.muli %add3A, %mul3A_1 : i32
    "tpu.region"() ({
      %run_scoped3A = tpu.sem_alloc : memref<!tpu.dma_semaphore, #tpu.memory_space<semaphore_mem>>
      %dma_start3A_141 = arith.constant 0 : i32
      %dma_start3A_142 = arith.constant 0 : i32
      %dma_start3A_143 = tpu.memref_slice %arg2[%add3A, %dma_start3A_141, %dma_start3A_142] : memref<32x50x128xi32, #tpu.memory_space<hbm>> -> memref<1x50x128xi32, #tpu.memory_space<hbm>>
      %dma_start3A_144 = tpu.memref_squeeze %dma_start3A_143 : memref<1x50x128xi32, #tpu.memory_space<hbm>> -> memref<50x128xi32, #tpu.memory_space<hbm>>
      %dma_start3A_145 = arith.constant 0 : i32
      %dma_start3A_146 = arith.constant 0 : i32
      %dma_start3A_147 = tpu.memref_slice %arg2[%add3A, %dma_start3A_145, %dma_start3A_146] : memref<32x50x128xi32, #tpu.memory_space<hbm>> -> memref<1x50x128xi32, #tpu.memory_space<hbm>>
      %dma_start3A_148 = tpu.memref_squeeze %dma_start3A_147 : memref<1x50x128xi32, #tpu.memory_space<hbm>> -> memref<50x128xi32, #tpu.memory_space<hbm>>
      tpu.enqueue_dma source(%dma_start3A_148 : memref<50x128xi32, #tpu.memory_space<hbm>>) target(%arg5 : memref<50x128xi32, #tpu.memory_space<vmem>>) target_semaphore(%run_scoped3A : memref<!tpu.dma_semaphore, #tpu.memory_space<semaphore_mem>>)
      %dma_wait3A_149 = arith.constant 0 : i32
      %dma_wait3A_150 = arith.constant 0 : i32
      %dma_wait3A_151 = tpu.memref_slice %arg2[%add3A, %dma_wait3A_149, %dma_wait3A_150] : memref<32x50x128xi32, #tpu.memory_space<hbm>> -> memref<1x50x128xi32, #tpu.memory_space<hbm>>
      %dma_wait3A_152 = tpu.memref_squeeze %dma_wait3A_151 : memref<1x50x128xi32, #tpu.memory_space<hbm>> -> memref<50x128xi32, #tpu.memory_space<hbm>>
      %dma_wait3A_153 = arith.constant 0 : i32
      %dma_wait3A_154 = arith.constant 0 : i32
      %dma_wait3A_155 = tpu.memref_slice %arg2[%add3A, %dma_wait3A_153, %dma_wait3A_154] : memref<32x50x128xi32, #tpu.memory_space<hbm>> -> memref<1x50x128xi32, #tpu.memory_space<hbm>>
      %dma_wait3A_156 = tpu.memref_squeeze %dma_wait3A_155 : memref<1x50x128xi32, #tpu.memory_space<hbm>> -> memref<50x128xi32, #tpu.memory_space<hbm>>
      tpu.wait_dma2 semaphore(%run_scoped3A : memref<!tpu.dma_semaphore, #tpu.memory_space<semaphore_mem>>) src(%dma_wait3A_156 : memref<50x128xi32, #tpu.memory_space<hbm>>) dst(%arg5 : memref<50x128xi32, #tpu.memory_space<vmem>>)
      tpu.yield
    }) : () -> ()
    %dma_start3A = arith.constant 0 : i32
    %dma_start3A_3 = arith.constant 0 : i32
    %dma_start3A_4 = arith.constant 0 : i32
    %dma_start3A_5 = arith.constant 0 : i32
    %dma_start3A_6 = arith.constant 0 : i32
    %dma_start3A_7 = tpu.memref_slice %arg6[%dma_start3A_3, %dma_start3A_5, %dma_start3A_6] : memref<5x128x128xf32, #tpu.memory_space<vmem>> -> memref<1x128x128xf32, #tpu.memory_space<vmem>>
    %dma_start3A_8 = tpu.memref_squeeze %dma_start3A_7 : memref<1x128x128xf32, #tpu.memory_space<vmem>> -> memref<128x128xf32, #tpu.memory_space<vmem>>
    %dma_start3A_9 = arith.constant 0 : i32
    %dma_start3A_10 = tpu.memref_slice %arg5[%dma_start3A, %dma_start3A_9] : memref<50x128xi32, #tpu.memory_space<vmem>> -> memref<1x128xi32, #tpu.memory_space<vmem>>
    %dma_start3A_11 = tpu.memref_squeeze %dma_start3A_10 : memref<1x128xi32, #tpu.memory_space<vmem>> -> memref<128xi32, #tpu.memory_space<vmem>>
    %dma_start3A_12 = arith.constant 0 : i32
    %dma_start3A_13 = arith.constant 0 : i32
    %dma_start3A_14 = tpu.memref_slice %arg3[%dma_start3A_12, %dma_start3A_13] : memref<100001x128xf32, #tpu.memory_space<hbm>> -> memref<100001x128xf32, #tpu.memory_space<hbm>>
    %dma_start3A_15 = tpu.memref_slice %arg7[%dma_start3A_4] : memref<5x!tpu.dma_semaphore, #tpu.memory_space<semaphore_mem>> -> memref<1x!tpu.dma_semaphore, #tpu.memory_space<semaphore_mem>>
    %dma_start3A_16 = tpu.memref_squeeze %dma_start3A_15 : memref<1x!tpu.dma_semaphore, #tpu.memory_space<semaphore_mem>> -> memref<!tpu.dma_semaphore, #tpu.memory_space<semaphore_mem>>
    tpu.enqueue_indirect_dma source(%dma_start3A_14 : memref<100001x128xf32, #tpu.memory_space<hbm>>) target(%dma_start3A_8 : memref<128x128xf32, #tpu.memory_space<vmem>>) offsets(%dma_start3A_11 : memref<128xi32, #tpu.memory_space<vmem>>) semaphore(%dma_start3A_16 : memref<!tpu.dma_semaphore, #tpu.memory_space<semaphore_mem>>)
    %dma_start3A_17 = arith.constant 1 : i32
    %dma_start3A_18 = arith.constant 1 : i32
    %dma_start3A_19 = arith.constant 1 : i32
    %dma_start3A_20 = arith.constant 0 : i32
    %dma_start3A_21 = arith.constant 0 : i32
    %dma_start3A_22 = tpu.memref_slice %arg6[%dma_start3A_18, %dma_start3A_20, %dma_start3A_21] : memref<5x128x128xf32, #tpu.memory_space<vmem>> -> memref<1x128x128xf32, #tpu.memory_space<vmem>>
    %dma_start3A_23 = tpu.memref_squeeze %dma_start3A_22 : memref<1x128x128xf32, #tpu.memory_space<vmem>> -> memref<128x128xf32, #tpu.memory_space<vmem>>
    %dma_start3A_24 = arith.constant 0 : i32
    %dma_start3A_25 = tpu.memref_slice %arg5[%dma_start3A_17, %dma_start3A_24] : memref<50x128xi32, #tpu.memory_space<vmem>> -> memref<1x128xi32, #tpu.memory_space<vmem>>
    %dma_start3A_26 = tpu.memref_squeeze %dma_start3A_25 : memref<1x128xi32, #tpu.memory_space<vmem>> -> memref<128xi32, #tpu.memory_space<vmem>>
    %dma_start3A_27 = arith.constant 0 : i32
    %dma_start3A_28 = arith.constant 0 : i32
    %dma_start3A_29 = tpu.memref_slice %arg3[%dma_start3A_27, %dma_start3A_28] : memref<100001x128xf32, #tpu.memory_space<hbm>> -> memref<100001x128xf32, #tpu.memory_space<hbm>>
    %dma_start3A_30 = tpu.memref_slice %arg7[%dma_start3A_19] : memref<5x!tpu.dma_semaphore, #tpu.memory_space<semaphore_mem>> -> memref<1x!tpu.dma_semaphore, #tpu.memory_space<semaphore_mem>>
    %dma_start3A_31 = tpu.memref_squeeze %dma_start3A_30 : memref<1x!tpu.dma_semaphore, #tpu.memory_space<semaphore_mem>> -> memref<!tpu.dma_semaphore, #tpu.memory_space<semaphore_mem>>
    tpu.enqueue_indirect_dma source(%dma_start3A_29 : memref<100001x128xf32, #tpu.memory_space<hbm>>) target(%dma_start3A_23 : memref<128x128xf32, #tpu.memory_space<vmem>>) offsets(%dma_start3A_26 : memref<128xi32, #tpu.memory_space<vmem>>) semaphore(%dma_start3A_31 : memref<!tpu.dma_semaphore, #tpu.memory_space<semaphore_mem>>)
    %dma_start3A_32 = arith.constant 2 : i32
    %dma_start3A_33 = arith.constant 2 : i32
    %dma_start3A_34 = arith.constant 2 : i32
    %dma_start3A_35 = arith.constant 0 : i32
    %dma_start3A_36 = arith.constant 0 : i32
    %dma_start3A_37 = tpu.memref_slice %arg6[%dma_start3A_33, %dma_start3A_35, %dma_start3A_36] : memref<5x128x128xf32, #tpu.memory_space<vmem>> -> memref<1x128x128xf32, #tpu.memory_space<vmem>>
    %dma_start3A_38 = tpu.memref_squeeze %dma_start3A_37 : memref<1x128x128xf32, #tpu.memory_space<vmem>> -> memref<128x128xf32, #tpu.memory_space<vmem>>
    %dma_start3A_39 = arith.constant 0 : i32
    %dma_start3A_40 = tpu.memref_slice %arg5[%dma_start3A_32, %dma_start3A_39] : memref<50x128xi32, #tpu.memory_space<vmem>> -> memref<1x128xi32, #tpu.memory_space<vmem>>
    %dma_start3A_41 = tpu.memref_squeeze %dma_start3A_40 : memref<1x128xi32, #tpu.memory_space<vmem>> -> memref<128xi32, #tpu.memory_space<vmem>>
    %dma_start3A_42 = arith.constant 0 : i32
    %dma_start3A_43 = arith.constant 0 : i32
    %dma_start3A_44 = tpu.memref_slice %arg3[%dma_start3A_42, %dma_start3A_43] : memref<100001x128xf32, #tpu.memory_space<hbm>> -> memref<100001x128xf32, #tpu.memory_space<hbm>>
    %dma_start3A_45 = tpu.memref_slice %arg7[%dma_start3A_34] : memref<5x!tpu.dma_semaphore, #tpu.memory_space<semaphore_mem>> -> memref<1x!tpu.dma_semaphore, #tpu.memory_space<semaphore_mem>>
    %dma_start3A_46 = tpu.memref_squeeze %dma_start3A_45 : memref<1x!tpu.dma_semaphore, #tpu.memory_space<semaphore_mem>> -> memref<!tpu.dma_semaphore, #tpu.memory_space<semaphore_mem>>
    tpu.enqueue_indirect_dma source(%dma_start3A_44 : memref<100001x128xf32, #tpu.memory_space<hbm>>) target(%dma_start3A_38 : memref<128x128xf32, #tpu.memory_space<vmem>>) offsets(%dma_start3A_41 : memref<128xi32, #tpu.memory_space<vmem>>) semaphore(%dma_start3A_46 : memref<!tpu.dma_semaphore, #tpu.memory_space<semaphore_mem>>)
    %scan3A = arith.constant 0 : i32
    %scan3A_47 = arith.constant 0 : i32
    %scan3A_48 = arith.constant 10 : i32
    %scan3A_49 = arith.addi %scan3A_47, %scan3A_48 : i32
    %scan3A_50 = arith.constant 1 : i32
    scf.for %scan3A_141 = %scan3A_47 to %scan3A_49 step %scan3A_50  : i32 {
      %mul3A_142 = arith.constant 5 : i32
      %mul3A_143 = arith.muli %scan3A_141, %mul3A_142 : i32
      %add3A_144 = arith.constant 0 : i32
      %add3A_145 = arith.addi %mul3A_143, %add3A_144 : i32
      %add3A_146 = arith.constant 3 : i32
      %add3A_147 = arith.addi %add3A_145, %add3A_146 : i32
      %ge3A = arith.constant 5 : i32
      %ge3A_148 = arith.cmpi sge, %add3A_147, %ge3A : i32
      %lt3A = arith.constant 50 : i32
      %lt3A_149 = arith.cmpi slt, %add3A_147, %lt3A : i32
      %and3A = arith.andi %ge3A_148, %lt3A_149 : i1
      %convert_element_type3A = arith.extui %and3A : i1 to i32
      %cond3A = arith.constant 0 : i32
      %cond3A_150 = arith.cmpi ne, %convert_element_type3A, %cond3A : i32
      scf.if %cond3A_150 {
        %sub3A = arith.constant 5 : i32
        %sub3A_397 = arith.subi %add3A_147, %sub3A : i32
        %mul3A_398 = arith.constant 128 : i32
        %mul3A_399 = arith.muli %sub3A_397, %mul3A_398 : i32
        %add3A_400 = arith.addi %mul3A_2, %mul3A_399 : i32
        %dma_wait3A_401 = arith.constant 3 : i32
        %dma_wait3A_402 = arith.constant 3 : i32
        %dma_wait3A_403 = arith.constant 0 : i32
        %dma_wait3A_404 = arith.constant 0 : i32
        %dma_wait3A_405 = tpu.memref_slice %arg6[%dma_wait3A_401, %dma_wait3A_403, %dma_wait3A_404] : memref<5x128x128xf32, #tpu.memory_space<vmem>> -> memref<1x128x128xf32, #tpu.memory_space<vmem>>
        %dma_wait3A_406 = tpu.memref_squeeze %dma_wait3A_405 : memref<1x128x128xf32, #tpu.memory_space<vmem>> -> memref<128x128xf32, #tpu.memory_space<vmem>>
        %dma_wait3A_407 = arith.constant 0 : i32
        %dma_wait3A_408 = tpu.memref_slice %arg4[%add3A_400, %dma_wait3A_407] : memref<204800x128xf32, #tpu.memory_space<hbm>> -> memref<128x128xf32, #tpu.memory_space<hbm>>
        %dma_wait3A_409 = tpu.memref_slice %arg8[%dma_wait3A_402] : memref<5x!tpu.dma_semaphore, #tpu.memory_space<semaphore_mem>> -> memref<1x!tpu.dma_semaphore, #tpu.memory_space<semaphore_mem>>
        %dma_wait3A_410 = tpu.memref_squeeze %dma_wait3A_409 : memref<1x!tpu.dma_semaphore, #tpu.memory_space<semaphore_mem>> -> memref<!tpu.dma_semaphore, #tpu.memory_space<semaphore_mem>>
        %dma_wait3A_411 = arith.constant 0 : i32
        %dma_wait3A_412 = tpu.memref_slice %arg4[%add3A_400, %dma_wait3A_411] : memref<204800x128xf32, #tpu.memory_space<hbm>> -> memref<128x128xf32, #tpu.memory_space<hbm>>
        %dma_wait3A_413 = arith.constant 0 : i32
        %dma_wait3A_414 = arith.constant 0 : i32
        %dma_wait3A_415 = tpu.memref_slice %arg6[%dma_wait3A_401, %dma_wait3A_413, %dma_wait3A_414] : memref<5x128x128xf32, #tpu.memory_space<vmem>> -> memref<1x128x128xf32, #tpu.memory_space<vmem>>
        %dma_wait3A_416 = tpu.memref_squeeze %dma_wait3A_415 : memref<1x128x128xf32, #tpu.memory_space<vmem>> -> memref<128x128xf32, #tpu.memory_space<vmem>>
        tpu.wait_dma2 semaphore(%dma_wait3A_410 : memref<!tpu.dma_semaphore, #tpu.memory_space<semaphore_mem>>) src(%dma_wait3A_416 : memref<128x128xf32, #tpu.memory_space<vmem>>) dst(%dma_wait3A_412 : memref<128x128xf32, #tpu.memory_space<hbm>>)
      } else {
      }
      %lt3A_151 = arith.constant 50 : i32
      %lt3A_152 = arith.cmpi slt, %add3A_147, %lt3A_151 : i32
      %convert_element_type3A_153 = arith.extui %lt3A_152 : i1 to i32
      %cond3A_154 = arith.constant 0 : i32
      %cond3A_155 = arith.cmpi ne, %convert_element_type3A_153, %cond3A_154 : i32
      scf.if %cond3A_155 {
        %dma_start3A_397 = arith.constant 3 : i32
        %dma_start3A_398 = arith.constant 3 : i32
        %dma_start3A_399 = arith.constant 0 : i32
        %dma_start3A_400 = arith.constant 0 : i32
        %dma_start3A_401 = tpu.memref_slice %arg6[%dma_start3A_397, %dma_start3A_399, %dma_start3A_400] : memref<5x128x128xf32, #tpu.memory_space<vmem>> -> memref<1x128x128xf32, #tpu.memory_space<vmem>>
        %dma_start3A_402 = tpu.memref_squeeze %dma_start3A_401 : memref<1x128x128xf32, #tpu.memory_space<vmem>> -> memref<128x128xf32, #tpu.memory_space<vmem>>
        %dma_start3A_403 = arith.constant 0 : i32
        %dma_start3A_404 = tpu.memref_slice %arg5[%add3A_147, %dma_start3A_403] : memref<50x128xi32, #tpu.memory_space<vmem>> -> memref<1x128xi32, #tpu.memory_space<vmem>>
        %dma_start3A_405 = tpu.memref_squeeze %dma_start3A_404 : memref<1x128xi32, #tpu.memory_space<vmem>> -> memref<128xi32, #tpu.memory_space<vmem>>
        %dma_start3A_406 = arith.constant 0 : i32
        %dma_start3A_407 = arith.constant 0 : i32
        %dma_start3A_408 = tpu.memref_slice %arg3[%dma_start3A_406, %dma_start3A_407] : memref<100001x128xf32, #tpu.memory_space<hbm>> -> memref<100001x128xf32, #tpu.memory_space<hbm>>
        %dma_start3A_409 = tpu.memref_slice %arg7[%dma_start3A_398] : memref<5x!tpu.dma_semaphore, #tpu.memory_space<semaphore_mem>> -> memref<1x!tpu.dma_semaphore, #tpu.memory_space<semaphore_mem>>
        %dma_start3A_410 = tpu.memref_squeeze %dma_start3A_409 : memref<1x!tpu.dma_semaphore, #tpu.memory_space<semaphore_mem>> -> memref<!tpu.dma_semaphore, #tpu.memory_space<semaphore_mem>>
        tpu.enqueue_indirect_dma source(%dma_start3A_408 : memref<100001x128xf32, #tpu.memory_space<hbm>>) target(%dma_start3A_402 : memref<128x128xf32, #tpu.memory_space<vmem>>) offsets(%dma_start3A_405 : memref<128xi32, #tpu.memory_space<vmem>>) semaphore(%dma_start3A_410 : memref<!tpu.dma_semaphore, #tpu.memory_space<semaphore_mem>>)
      } else {
      }
      %dma_wait3A_156 = arith.constant 0 : i32
      %dma_wait3A_157 = arith.constant 0 : i32
      %dma_wait3A_158 = arith.constant 0 : i32
      %dma_wait3A_159 = arith.constant 0 : i32
      %dma_wait3A_160 = tpu.memref_slice %arg6[%dma_wait3A_156, %dma_wait3A_158, %dma_wait3A_159] : memref<5x128x128xf32, #tpu.memory_space<vmem>> -> memref<1x128x128xf32, #tpu.memory_space<vmem>>
      %dma_wait3A_161 = tpu.memref_squeeze %dma_wait3A_160 : memref<1x128x128xf32, #tpu.memory_space<vmem>> -> memref<128x128xf32, #tpu.memory_space<vmem>>
      %dma_wait3A_162 = arith.constant 0 : i32
      %dma_wait3A_163 = tpu.memref_slice %arg5[%add3A_145, %dma_wait3A_162] : memref<50x128xi32, #tpu.memory_space<vmem>> -> memref<1x128xi32, #tpu.memory_space<vmem>>
      %dma_wait3A_164 = tpu.memref_squeeze %dma_wait3A_163 : memref<1x128xi32, #tpu.memory_space<vmem>> -> memref<128xi32, #tpu.memory_space<vmem>>
      %dma_wait3A_165 = arith.constant 0 : i32
      %dma_wait3A_166 = arith.constant 0 : i32
      %dma_wait3A_167 = tpu.memref_slice %arg3[%dma_wait3A_165, %dma_wait3A_166] : memref<100001x128xf32, #tpu.memory_space<hbm>> -> memref<100001x128xf32, #tpu.memory_space<hbm>>
      %dma_wait3A_168 = tpu.memref_slice %arg7[%dma_wait3A_157] : memref<5x!tpu.dma_semaphore, #tpu.memory_space<semaphore_mem>> -> memref<1x!tpu.dma_semaphore, #tpu.memory_space<semaphore_mem>>
      %dma_wait3A_169 = tpu.memref_squeeze %dma_wait3A_168 : memref<1x!tpu.dma_semaphore, #tpu.memory_space<semaphore_mem>> -> memref<!tpu.dma_semaphore, #tpu.memory_space<semaphore_mem>>
      tpu.wait_indirect_dma semaphore(%dma_wait3A_169 : memref<!tpu.dma_semaphore, #tpu.memory_space<semaphore_mem>>) src(%dma_wait3A_167 : memref<100001x128xf32, #tpu.memory_space<hbm>>) dst(%dma_wait3A_161 : memref<128x128xf32, #tpu.memory_space<vmem>>)
      %mul3A_170 = arith.constant 128 : i32
      %mul3A_171 = arith.muli %add3A_145, %mul3A_170 : i32
      %add3A_172 = arith.addi %mul3A_2, %mul3A_171 : i32
      %dma_start3A_173 = arith.constant 0 : i32
      %dma_start3A_174 = arith.constant 0 : i32
      %dma_start3A_175 = arith.constant 0 : i32
      %dma_start3A_176 = arith.constant 0 : i32
      %dma_start3A_177 = tpu.memref_slice %arg6[%dma_start3A_173, %dma_start3A_175, %dma_start3A_176] : memref<5x128x128xf32, #tpu.memory_space<vmem>> -> memref<1x128x128xf32, #tpu.memory_space<vmem>>
      %dma_start3A_178 = tpu.memref_squeeze %dma_start3A_177 : memref<1x128x128xf32, #tpu.memory_space<vmem>> -> memref<128x128xf32, #tpu.memory_space<vmem>>
      %dma_start3A_179 = arith.constant 0 : i32
      %dma_start3A_180 = tpu.memref_slice %arg4[%add3A_172, %dma_start3A_179] : memref<204800x128xf32, #tpu.memory_space<hbm>> -> memref<128x128xf32, #tpu.memory_space<hbm>>
      %dma_start3A_181 = tpu.memref_slice %arg8[%dma_start3A_174] : memref<5x!tpu.dma_semaphore, #tpu.memory_space<semaphore_mem>> -> memref<1x!tpu.dma_semaphore, #tpu.memory_space<semaphore_mem>>
      %dma_start3A_182 = tpu.memref_squeeze %dma_start3A_181 : memref<1x!tpu.dma_semaphore, #tpu.memory_space<semaphore_mem>> -> memref<!tpu.dma_semaphore, #tpu.memory_space<semaphore_mem>>
      %dma_start3A_183 = arith.constant 0 : i32
      %dma_start3A_184 = tpu.memref_slice %arg4[%add3A_172, %dma_start3A_183] : memref<204800x128xf32, #tpu.memory_space<hbm>> -> memref<128x128xf32, #tpu.memory_space<hbm>>
      %dma_start3A_185 = arith.constant 0 : i32
      %dma_start3A_186 = arith.constant 0 : i32
      %dma_start3A_187 = tpu.memref_slice %arg6[%dma_start3A_173, %dma_start3A_185, %dma_start3A_186] : memref<5x128x128xf32, #tpu.memory_space<vmem>> -> memref<1x128x128xf32, #tpu.memory_space<vmem>>
      %dma_start3A_188 = tpu.memref_squeeze %dma_start3A_187 : memref<1x128x128xf32, #tpu.memory_space<vmem>> -> memref<128x128xf32, #tpu.memory_space<vmem>>
      tpu.enqueue_dma source(%dma_start3A_188 : memref<128x128xf32, #tpu.memory_space<vmem>>) target(%dma_start3A_184 : memref<128x128xf32, #tpu.memory_space<hbm>>) target_semaphore(%dma_start3A_182 : memref<!tpu.dma_semaphore, #tpu.memory_space<semaphore_mem>>)
      %mul3A_189 = arith.constant 5 : i32
      %mul3A_190 = arith.muli %scan3A_141, %mul3A_189 : i32
      %add3A_191 = arith.constant 1 : i32
      %add3A_192 = arith.addi %mul3A_190, %add3A_191 : i32
      %add3A_193 = arith.constant 3 : i32
      %add3A_194 = arith.addi %add3A_192, %add3A_193 : i32
      %ge3A_195 = arith.constant 5 : i32
      %ge3A_196 = arith.cmpi sge, %add3A_194, %ge3A_195 : i32
      %lt3A_197 = arith.constant 50 : i32
      %lt3A_198 = arith.cmpi slt, %add3A_194, %lt3A_197 : i32
      %and3A_199 = arith.andi %ge3A_196, %lt3A_198 : i1
      %convert_element_type3A_200 = arith.extui %and3A_199 : i1 to i32
      %cond3A_201 = arith.constant 0 : i32
      %cond3A_202 = arith.cmpi ne, %convert_element_type3A_200, %cond3A_201 : i32
      scf.if %cond3A_202 {
        %sub3A = arith.constant 5 : i32
        %sub3A_397 = arith.subi %add3A_194, %sub3A : i32
        %mul3A_398 = arith.constant 128 : i32
        %mul3A_399 = arith.muli %sub3A_397, %mul3A_398 : i32
        %add3A_400 = arith.addi %mul3A_2, %mul3A_399 : i32
        %dma_wait3A_401 = arith.constant 4 : i32
        %dma_wait3A_402 = arith.constant 4 : i32
        %dma_wait3A_403 = arith.constant 0 : i32
        %dma_wait3A_404 = arith.constant 0 : i32
        %dma_wait3A_405 = tpu.memref_slice %arg6[%dma_wait3A_401, %dma_wait3A_403, %dma_wait3A_404] : memref<5x128x128xf32, #tpu.memory_space<vmem>> -> memref<1x128x128xf32, #tpu.memory_space<vmem>>
        %dma_wait3A_406 = tpu.memref_squeeze %dma_wait3A_405 : memref<1x128x128xf32, #tpu.memory_space<vmem>> -> memref<128x128xf32, #tpu.memory_space<vmem>>
        %dma_wait3A_407 = arith.constant 0 : i32
        %dma_wait3A_408 = tpu.memref_slice %arg4[%add3A_400, %dma_wait3A_407] : memref<204800x128xf32, #tpu.memory_space<hbm>> -> memref<128x128xf32, #tpu.memory_space<hbm>>
        %dma_wait3A_409 = tpu.memref_slice %arg8[%dma_wait3A_402] : memref<5x!tpu.dma_semaphore, #tpu.memory_space<semaphore_mem>> -> memref<1x!tpu.dma_semaphore, #tpu.memory_space<semaphore_mem>>
        %dma_wait3A_410 = tpu.memref_squeeze %dma_wait3A_409 : memref<1x!tpu.dma_semaphore, #tpu.memory_space<semaphore_mem>> -> memref<!tpu.dma_semaphore, #tpu.memory_space<semaphore_mem>>
        %dma_wait3A_411 = arith.constant 0 : i32
        %dma_wait3A_412 = tpu.memref_slice %arg4[%add3A_400, %dma_wait3A_411] : memref<204800x128xf32, #tpu.memory_space<hbm>> -> memref<128x128xf32, #tpu.memory_space<hbm>>
        %dma_wait3A_413 = arith.constant 0 : i32
        %dma_wait3A_414 = arith.constant 0 : i32
        %dma_wait3A_415 = tpu.memref_slice %arg6[%dma_wait3A_401, %dma_wait3A_413, %dma_wait3A_414] : memref<5x128x128xf32, #tpu.memory_space<vmem>> -> memref<1x128x128xf32, #tpu.memory_space<vmem>>
        %dma_wait3A_416 = tpu.memref_squeeze %dma_wait3A_415 : memref<1x128x128xf32, #tpu.memory_space<vmem>> -> memref<128x128xf32, #tpu.memory_space<vmem>>
        tpu.wait_dma2 semaphore(%dma_wait3A_410 : memref<!tpu.dma_semaphore, #tpu.memory_space<semaphore_mem>>) src(%dma_wait3A_416 : memref<128x128xf32, #tpu.memory_space<vmem>>) dst(%dma_wait3A_412 : memref<128x128xf32, #tpu.memory_space<hbm>>)
      } else {
      }
      %lt3A_203 = arith.constant 50 : i32
      %lt3A_204 = arith.cmpi slt, %add3A_194, %lt3A_203 : i32
      %convert_element_type3A_205 = arith.extui %lt3A_204 : i1 to i32
      %cond3A_206 = arith.constant 0 : i32
      %cond3A_207 = arith.cmpi ne, %convert_element_type3A_205, %cond3A_206 : i32
      scf.if %cond3A_207 {
        %dma_start3A_397 = arith.constant 4 : i32
        %dma_start3A_398 = arith.constant 4 : i32
        %dma_start3A_399 = arith.constant 0 : i32
        %dma_start3A_400 = arith.constant 0 : i32
        %dma_start3A_401 = tpu.memref_slice %arg6[%dma_start3A_397, %dma_start3A_399, %dma_start3A_400] : memref<5x128x128xf32, #tpu.memory_space<vmem>> -> memref<1x128x128xf32, #tpu.memory_space<vmem>>
        %dma_start3A_402 = tpu.memref_squeeze %dma_start3A_401 : memref<1x128x128xf32, #tpu.memory_space<vmem>> -> memref<128x128xf32, #tpu.memory_space<vmem>>
        %dma_start3A_403 = arith.constant 0 : i32
        %dma_start3A_404 = tpu.memref_slice %arg5[%add3A_194, %dma_start3A_403] : memref<50x128xi32, #tpu.memory_space<vmem>> -> memref<1x128xi32, #tpu.memory_space<vmem>>
        %dma_start3A_405 = tpu.memref_squeeze %dma_start3A_404 : memref<1x128xi32, #tpu.memory_space<vmem>> -> memref<128xi32, #tpu.memory_space<vmem>>
        %dma_start3A_406 = arith.constant 0 : i32
        %dma_start3A_407 = arith.constant 0 : i32
        %dma_start3A_408 = tpu.memref_slice %arg3[%dma_start3A_406, %dma_start3A_407] : memref<100001x128xf32, #tpu.memory_space<hbm>> -> memref<100001x128xf32, #tpu.memory_space<hbm>>
        %dma_start3A_409 = tpu.memref_slice %arg7[%dma_start3A_398] : memref<5x!tpu.dma_semaphore, #tpu.memory_space<semaphore_mem>> -> memref<1x!tpu.dma_semaphore, #tpu.memory_space<semaphore_mem>>
        %dma_start3A_410 = tpu.memref_squeeze %dma_start3A_409 : memref<1x!tpu.dma_semaphore, #tpu.memory_space<semaphore_mem>> -> memref<!tpu.dma_semaphore, #tpu.memory_space<semaphore_mem>>
        tpu.enqueue_indirect_dma source(%dma_start3A_408 : memref<100001x128xf32, #tpu.memory_space<hbm>>) target(%dma_start3A_402 : memref<128x128xf32, #tpu.memory_space<vmem>>) offsets(%dma_start3A_405 : memref<128xi32, #tpu.memory_space<vmem>>) semaphore(%dma_start3A_410 : memref<!tpu.dma_semaphore, #tpu.memory_space<semaphore_mem>>)
      } else {
      }
      %dma_wait3A_208 = arith.constant 1 : i32
      %dma_wait3A_209 = arith.constant 1 : i32
      %dma_wait3A_210 = arith.constant 0 : i32
      %dma_wait3A_211 = arith.constant 0 : i32
      %dma_wait3A_212 = tpu.memref_slice %arg6[%dma_wait3A_208, %dma_wait3A_210, %dma_wait3A_211] : memref<5x128x128xf32, #tpu.memory_space<vmem>> -> memref<1x128x128xf32, #tpu.memory_space<vmem>>
      %dma_wait3A_213 = tpu.memref_squeeze %dma_wait3A_212 : memref<1x128x128xf32, #tpu.memory_space<vmem>> -> memref<128x128xf32, #tpu.memory_space<vmem>>
      %dma_wait3A_214 = arith.constant 0 : i32
      %dma_wait3A_215 = tpu.memref_slice %arg5[%add3A_192, %dma_wait3A_214] : memref<50x128xi32, #tpu.memory_space<vmem>> -> memref<1x128xi32, #tpu.memory_space<vmem>>
      %dma_wait3A_216 = tpu.memref_squeeze %dma_wait3A_215 : memref<1x128xi32, #tpu.memory_space<vmem>> -> memref<128xi32, #tpu.memory_space<vmem>>
      %dma_wait3A_217 = arith.constant 0 : i32
      %dma_wait3A_218 = arith.constant 0 : i32
      %dma_wait3A_219 = tpu.memref_slice %arg3[%dma_wait3A_217, %dma_wait3A_218] : memref<100001x128xf32, #tpu.memory_space<hbm>> -> memref<100001x128xf32, #tpu.memory_space<hbm>>
      %dma_wait3A_220 = tpu.memref_slice %arg7[%dma_wait3A_209] : memref<5x!tpu.dma_semaphore, #tpu.memory_space<semaphore_mem>> -> memref<1x!tpu.dma_semaphore, #tpu.memory_space<semaphore_mem>>
      %dma_wait3A_221 = tpu.memref_squeeze %dma_wait3A_220 : memref<1x!tpu.dma_semaphore, #tpu.memory_space<semaphore_mem>> -> memref<!tpu.dma_semaphore, #tpu.memory_space<semaphore_mem>>
      tpu.wait_indirect_dma semaphore(%dma_wait3A_221 : memref<!tpu.dma_semaphore, #tpu.memory_space<semaphore_mem>>) src(%dma_wait3A_219 : memref<100001x128xf32, #tpu.memory_space<hbm>>) dst(%dma_wait3A_213 : memref<128x128xf32, #tpu.memory_space<vmem>>)
      %mul3A_222 = arith.constant 128 : i32
      %mul3A_223 = arith.muli %add3A_192, %mul3A_222 : i32
      %add3A_224 = arith.addi %mul3A_2, %mul3A_223 : i32
      %dma_start3A_225 = arith.constant 1 : i32
      %dma_start3A_226 = arith.constant 1 : i32
      %dma_start3A_227 = arith.constant 0 : i32
      %dma_start3A_228 = arith.constant 0 : i32
      %dma_start3A_229 = tpu.memref_slice %arg6[%dma_start3A_225, %dma_start3A_227, %dma_start3A_228] : memref<5x128x128xf32, #tpu.memory_space<vmem>> -> memref<1x128x128xf32, #tpu.memory_space<vmem>>
      %dma_start3A_230 = tpu.memref_squeeze %dma_start3A_229 : memref<1x128x128xf32, #tpu.memory_space<vmem>> -> memref<128x128xf32, #tpu.memory_space<vmem>>
      %dma_start3A_231 = arith.constant 0 : i32
      %dma_start3A_232 = tpu.memref_slice %arg4[%add3A_224, %dma_start3A_231] : memref<204800x128xf32, #tpu.memory_space<hbm>> -> memref<128x128xf32, #tpu.memory_space<hbm>>
      %dma_start3A_233 = tpu.memref_slice %arg8[%dma_start3A_226] : memref<5x!tpu.dma_semaphore, #tpu.memory_space<semaphore_mem>> -> memref<1x!tpu.dma_semaphore, #tpu.memory_space<semaphore_mem>>
      %dma_start3A_234 = tpu.memref_squeeze %dma_start3A_233 : memref<1x!tpu.dma_semaphore, #tpu.memory_space<semaphore_mem>> -> memref<!tpu.dma_semaphore, #tpu.memory_space<semaphore_mem>>
      %dma_start3A_235 = arith.constant 0 : i32
      %dma_start3A_236 = tpu.memref_slice %arg4[%add3A_224, %dma_start3A_235] : memref<204800x128xf32, #tpu.memory_space<hbm>> -> memref<128x128xf32, #tpu.memory_space<hbm>>
      %dma_start3A_237 = arith.constant 0 : i32
      %dma_start3A_238 = arith.constant 0 : i32
      %dma_start3A_239 = tpu.memref_slice %arg6[%dma_start3A_225, %dma_start3A_237, %dma_start3A_238] : memref<5x128x128xf32, #tpu.memory_space<vmem>> -> memref<1x128x128xf32, #tpu.memory_space<vmem>>
      %dma_start3A_240 = tpu.memref_squeeze %dma_start3A_239 : memref<1x128x128xf32, #tpu.memory_space<vmem>> -> memref<128x128xf32, #tpu.memory_space<vmem>>
      tpu.enqueue_dma source(%dma_start3A_240 : memref<128x128xf32, #tpu.memory_space<vmem>>) target(%dma_start3A_236 : memref<128x128xf32, #tpu.memory_space<hbm>>) target_semaphore(%dma_start3A_234 : memref<!tpu.dma_semaphore, #tpu.memory_space<semaphore_mem>>)
      %mul3A_241 = arith.constant 5 : i32
      %mul3A_242 = arith.muli %scan3A_141, %mul3A_241 : i32
      %add3A_243 = arith.constant 2 : i32
      %add3A_244 = arith.addi %mul3A_242, %add3A_243 : i32
      %add3A_245 = arith.constant 3 : i32
      %add3A_246 = arith.addi %add3A_244, %add3A_245 : i32
      %ge3A_247 = arith.constant 5 : i32
      %ge3A_248 = arith.cmpi sge, %add3A_246, %ge3A_247 : i32
      %lt3A_249 = arith.constant 50 : i32
      %lt3A_250 = arith.cmpi slt, %add3A_246, %lt3A_249 : i32
      %and3A_251 = arith.andi %ge3A_248, %lt3A_250 : i1
      %convert_element_type3A_252 = arith.extui %and3A_251 : i1 to i32
      %cond3A_253 = arith.constant 0 : i32
      %cond3A_254 = arith.cmpi ne, %convert_element_type3A_252, %cond3A_253 : i32
      scf.if %cond3A_254 {
        %sub3A = arith.constant 5 : i32
        %sub3A_397 = arith.subi %add3A_246, %sub3A : i32
        %mul3A_398 = arith.constant 128 : i32
        %mul3A_399 = arith.muli %sub3A_397, %mul3A_398 : i32
        %add3A_400 = arith.addi %mul3A_2, %mul3A_399 : i32
        %dma_wait3A_401 = arith.constant 0 : i32
        %dma_wait3A_402 = arith.constant 0 : i32
        %dma_wait3A_403 = arith.constant 0 : i32
        %dma_wait3A_404 = arith.constant 0 : i32
        %dma_wait3A_405 = tpu.memref_slice %arg6[%dma_wait3A_401, %dma_wait3A_403, %dma_wait3A_404] : memref<5x128x128xf32, #tpu.memory_space<vmem>> -> memref<1x128x128xf32, #tpu.memory_space<vmem>>
        %dma_wait3A_406 = tpu.memref_squeeze %dma_wait3A_405 : memref<1x128x128xf32, #tpu.memory_space<vmem>> -> memref<128x128xf32, #tpu.memory_space<vmem>>
        %dma_wait3A_407 = arith.constant 0 : i32
        %dma_wait3A_408 = tpu.memref_slice %arg4[%add3A_400, %dma_wait3A_407] : memref<204800x128xf32, #tpu.memory_space<hbm>> -> memref<128x128xf32, #tpu.memory_space<hbm>>
        %dma_wait3A_409 = tpu.memref_slice %arg8[%dma_wait3A_402] : memref<5x!tpu.dma_semaphore, #tpu.memory_space<semaphore_mem>> -> memref<1x!tpu.dma_semaphore, #tpu.memory_space<semaphore_mem>>
        %dma_wait3A_410 = tpu.memref_squeeze %dma_wait3A_409 : memref<1x!tpu.dma_semaphore, #tpu.memory_space<semaphore_mem>> -> memref<!tpu.dma_semaphore, #tpu.memory_space<semaphore_mem>>
        %dma_wait3A_411 = arith.constant 0 : i32
        %dma_wait3A_412 = tpu.memref_slice %arg4[%add3A_400, %dma_wait3A_411] : memref<204800x128xf32, #tpu.memory_space<hbm>> -> memref<128x128xf32, #tpu.memory_space<hbm>>
        %dma_wait3A_413 = arith.constant 0 : i32
        %dma_wait3A_414 = arith.constant 0 : i32
        %dma_wait3A_415 = tpu.memref_slice %arg6[%dma_wait3A_401, %dma_wait3A_413, %dma_wait3A_414] : memref<5x128x128xf32, #tpu.memory_space<vmem>> -> memref<1x128x128xf32, #tpu.memory_space<vmem>>
        %dma_wait3A_416 = tpu.memref_squeeze %dma_wait3A_415 : memref<1x128x128xf32, #tpu.memory_space<vmem>> -> memref<128x128xf32, #tpu.memory_space<vmem>>
        tpu.wait_dma2 semaphore(%dma_wait3A_410 : memref<!tpu.dma_semaphore, #tpu.memory_space<semaphore_mem>>) src(%dma_wait3A_416 : memref<128x128xf32, #tpu.memory_space<vmem>>) dst(%dma_wait3A_412 : memref<128x128xf32, #tpu.memory_space<hbm>>)
      } else {
      }
      %lt3A_255 = arith.constant 50 : i32
      %lt3A_256 = arith.cmpi slt, %add3A_246, %lt3A_255 : i32
      %convert_element_type3A_257 = arith.extui %lt3A_256 : i1 to i32
      %cond3A_258 = arith.constant 0 : i32
      %cond3A_259 = arith.cmpi ne, %convert_element_type3A_257, %cond3A_258 : i32
      scf.if %cond3A_259 {
        %dma_start3A_397 = arith.constant 0 : i32
        %dma_start3A_398 = arith.constant 0 : i32
        %dma_start3A_399 = arith.constant 0 : i32
        %dma_start3A_400 = arith.constant 0 : i32
        %dma_start3A_401 = tpu.memref_slice %arg6[%dma_start3A_397, %dma_start3A_399, %dma_start3A_400] : memref<5x128x128xf32, #tpu.memory_space<vmem>> -> memref<1x128x128xf32, #tpu.memory_space<vmem>>
        %dma_start3A_402 = tpu.memref_squeeze %dma_start3A_401 : memref<1x128x128xf32, #tpu.memory_space<vmem>> -> memref<128x128xf32, #tpu.memory_space<vmem>>
        %dma_start3A_403 = arith.constant 0 : i32
        %dma_start3A_404 = tpu.memref_slice %arg5[%add3A_246, %dma_start3A_403] : memref<50x128xi32, #tpu.memory_space<vmem>> -> memref<1x128xi32, #tpu.memory_space<vmem>>
        %dma_start3A_405 = tpu.memref_squeeze %dma_start3A_404 : memref<1x128xi32, #tpu.memory_space<vmem>> -> memref<128xi32, #tpu.memory_space<vmem>>
        %dma_start3A_406 = arith.constant 0 : i32
        %dma_start3A_407 = arith.constant 0 : i32
        %dma_start3A_408 = tpu.memref_slice %arg3[%dma_start3A_406, %dma_start3A_407] : memref<100001x128xf32, #tpu.memory_space<hbm>> -> memref<100001x128xf32, #tpu.memory_space<hbm>>
        %dma_start3A_409 = tpu.memref_slice %arg7[%dma_start3A_398] : memref<5x!tpu.dma_semaphore, #tpu.memory_space<semaphore_mem>> -> memref<1x!tpu.dma_semaphore, #tpu.memory_space<semaphore_mem>>
        %dma_start3A_410 = tpu.memref_squeeze %dma_start3A_409 : memref<1x!tpu.dma_semaphore, #tpu.memory_space<semaphore_mem>> -> memref<!tpu.dma_semaphore, #tpu.memory_space<semaphore_mem>>
        tpu.enqueue_indirect_dma source(%dma_start3A_408 : memref<100001x128xf32, #tpu.memory_space<hbm>>) target(%dma_start3A_402 : memref<128x128xf32, #tpu.memory_space<vmem>>) offsets(%dma_start3A_405 : memref<128xi32, #tpu.memory_space<vmem>>) semaphore(%dma_start3A_410 : memref<!tpu.dma_semaphore, #tpu.memory_space<semaphore_mem>>)
      } else {
      }
      %dma_wait3A_260 = arith.constant 2 : i32
      %dma_wait3A_261 = arith.constant 2 : i32
      %dma_wait3A_262 = arith.constant 0 : i32
      %dma_wait3A_263 = arith.constant 0 : i32
      %dma_wait3A_264 = tpu.memref_slice %arg6[%dma_wait3A_260, %dma_wait3A_262, %dma_wait3A_263] : memref<5x128x128xf32, #tpu.memory_space<vmem>> -> memref<1x128x128xf32, #tpu.memory_space<vmem>>
      %dma_wait3A_265 = tpu.memref_squeeze %dma_wait3A_264 : memref<1x128x128xf32, #tpu.memory_space<vmem>> -> memref<128x128xf32, #tpu.memory_space<vmem>>
      %dma_wait3A_266 = arith.constant 0 : i32
      %dma_wait3A_267 = tpu.memref_slice %arg5[%add3A_244, %dma_wait3A_266] : memref<50x128xi32, #tpu.memory_space<vmem>> -> memref<1x128xi32, #tpu.memory_space<vmem>>
      %dma_wait3A_268 = tpu.memref_squeeze %dma_wait3A_267 : memref<1x128xi32, #tpu.memory_space<vmem>> -> memref<128xi32, #tpu.memory_space<vmem>>
      %dma_wait3A_269 = arith.constant 0 : i32
      %dma_wait3A_270 = arith.constant 0 : i32
      %dma_wait3A_271 = tpu.memref_slice %arg3[%dma_wait3A_269, %dma_wait3A_270] : memref<100001x128xf32, #tpu.memory_space<hbm>> -> memref<100001x128xf32, #tpu.memory_space<hbm>>
      %dma_wait3A_272 = tpu.memref_slice %arg7[%dma_wait3A_261] : memref<5x!tpu.dma_semaphore, #tpu.memory_space<semaphore_mem>> -> memref<1x!tpu.dma_semaphore, #tpu.memory_space<semaphore_mem>>
      %dma_wait3A_273 = tpu.memref_squeeze %dma_wait3A_272 : memref<1x!tpu.dma_semaphore, #tpu.memory_space<semaphore_mem>> -> memref<!tpu.dma_semaphore, #tpu.memory_space<semaphore_mem>>
      tpu.wait_indirect_dma semaphore(%dma_wait3A_273 : memref<!tpu.dma_semaphore, #tpu.memory_space<semaphore_mem>>) src(%dma_wait3A_271 : memref<100001x128xf32, #tpu.memory_space<hbm>>) dst(%dma_wait3A_265 : memref<128x128xf32, #tpu.memory_space<vmem>>)
      %mul3A_274 = arith.constant 128 : i32
      %mul3A_275 = arith.muli %add3A_244, %mul3A_274 : i32
      %add3A_276 = arith.addi %mul3A_2, %mul3A_275 : i32
      %dma_start3A_277 = arith.constant 2 : i32
      %dma_start3A_278 = arith.constant 2 : i32
      %dma_start3A_279 = arith.constant 0 : i32
      %dma_start3A_280 = arith.constant 0 : i32
      %dma_start3A_281 = tpu.memref_slice %arg6[%dma_start3A_277, %dma_start3A_279, %dma_start3A_280] : memref<5x128x128xf32, #tpu.memory_space<vmem>> -> memref<1x128x128xf32, #tpu.memory_space<vmem>>
      %dma_start3A_282 = tpu.memref_squeeze %dma_start3A_281 : memref<1x128x128xf32, #tpu.memory_space<vmem>> -> memref<128x128xf32, #tpu.memory_space<vmem>>
      %dma_start3A_283 = arith.constant 0 : i32
      %dma_start3A_284 = tpu.memref_slice %arg4[%add3A_276, %dma_start3A_283] : memref<204800x128xf32, #tpu.memory_space<hbm>> -> memref<128x128xf32, #tpu.memory_space<hbm>>
      %dma_start3A_285 = tpu.memref_slice %arg8[%dma_start3A_278] : memref<5x!tpu.dma_semaphore, #tpu.memory_space<semaphore_mem>> -> memref<1x!tpu.dma_semaphore, #tpu.memory_space<semaphore_mem>>
      %dma_start3A_286 = tpu.memref_squeeze %dma_start3A_285 : memref<1x!tpu.dma_semaphore, #tpu.memory_space<semaphore_mem>> -> memref<!tpu.dma_semaphore, #tpu.memory_space<semaphore_mem>>
      %dma_start3A_287 = arith.constant 0 : i32
      %dma_start3A_288 = tpu.memref_slice %arg4[%add3A_276, %dma_start3A_287] : memref<204800x128xf32, #tpu.memory_space<hbm>> -> memref<128x128xf32, #tpu.memory_space<hbm>>
      %dma_start3A_289 = arith.constant 0 : i32
      %dma_start3A_290 = arith.constant 0 : i32
      %dma_start3A_291 = tpu.memref_slice %arg6[%dma_start3A_277, %dma_start3A_289, %dma_start3A_290] : memref<5x128x128xf32, #tpu.memory_space<vmem>> -> memref<1x128x128xf32, #tpu.memory_space<vmem>>
      %dma_start3A_292 = tpu.memref_squeeze %dma_start3A_291 : memref<1x128x128xf32, #tpu.memory_space<vmem>> -> memref<128x128xf32, #tpu.memory_space<vmem>>
      tpu.enqueue_dma source(%dma_start3A_292 : memref<128x128xf32, #tpu.memory_space<vmem>>) target(%dma_start3A_288 : memref<128x128xf32, #tpu.memory_space<hbm>>) target_semaphore(%dma_start3A_286 : memref<!tpu.dma_semaphore, #tpu.memory_space<semaphore_mem>>)
      %mul3A_293 = arith.constant 5 : i32
      %mul3A_294 = arith.muli %scan3A_141, %mul3A_293 : i32
      %add3A_295 = arith.constant 3 : i32
      %add3A_296 = arith.addi %mul3A_294, %add3A_295 : i32
      %add3A_297 = arith.constant 3 : i32
      %add3A_298 = arith.addi %add3A_296, %add3A_297 : i32
      %ge3A_299 = arith.constant 5 : i32
      %ge3A_300 = arith.cmpi sge, %add3A_298, %ge3A_299 : i32
      %lt3A_301 = arith.constant 50 : i32
      %lt3A_302 = arith.cmpi slt, %add3A_298, %lt3A_301 : i32
      %and3A_303 = arith.andi %ge3A_300, %lt3A_302 : i1
      %convert_element_type3A_304 = arith.extui %and3A_303 : i1 to i32
      %cond3A_305 = arith.constant 0 : i32
      %cond3A_306 = arith.cmpi ne, %convert_element_type3A_304, %cond3A_305 : i32
      scf.if %cond3A_306 {
        %sub3A = arith.constant 5 : i32
        %sub3A_397 = arith.subi %add3A_298, %sub3A : i32
        %mul3A_398 = arith.constant 128 : i32
        %mul3A_399 = arith.muli %sub3A_397, %mul3A_398 : i32
        %add3A_400 = arith.addi %mul3A_2, %mul3A_399 : i32
        %dma_wait3A_401 = arith.constant 1 : i32
        %dma_wait3A_402 = arith.constant 1 : i32
        %dma_wait3A_403 = arith.constant 0 : i32
        %dma_wait3A_404 = arith.constant 0 : i32
        %dma_wait3A_405 = tpu.memref_slice %arg6[%dma_wait3A_401, %dma_wait3A_403, %dma_wait3A_404] : memref<5x128x128xf32, #tpu.memory_space<vmem>> -> memref<1x128x128xf32, #tpu.memory_space<vmem>>
        %dma_wait3A_406 = tpu.memref_squeeze %dma_wait3A_405 : memref<1x128x128xf32, #tpu.memory_space<vmem>> -> memref<128x128xf32, #tpu.memory_space<vmem>>
        %dma_wait3A_407 = arith.constant 0 : i32
        %dma_wait3A_408 = tpu.memref_slice %arg4[%add3A_400, %dma_wait3A_407] : memref<204800x128xf32, #tpu.memory_space<hbm>> -> memref<128x128xf32, #tpu.memory_space<hbm>>
        %dma_wait3A_409 = tpu.memref_slice %arg8[%dma_wait3A_402] : memref<5x!tpu.dma_semaphore, #tpu.memory_space<semaphore_mem>> -> memref<1x!tpu.dma_semaphore, #tpu.memory_space<semaphore_mem>>
        %dma_wait3A_410 = tpu.memref_squeeze %dma_wait3A_409 : memref<1x!tpu.dma_semaphore, #tpu.memory_space<semaphore_mem>> -> memref<!tpu.dma_semaphore, #tpu.memory_space<semaphore_mem>>
        %dma_wait3A_411 = arith.constant 0 : i32
        %dma_wait3A_412 = tpu.memref_slice %arg4[%add3A_400, %dma_wait3A_411] : memref<204800x128xf32, #tpu.memory_space<hbm>> -> memref<128x128xf32, #tpu.memory_space<hbm>>
        %dma_wait3A_413 = arith.constant 0 : i32
        %dma_wait3A_414 = arith.constant 0 : i32
        %dma_wait3A_415 = tpu.memref_slice %arg6[%dma_wait3A_401, %dma_wait3A_413, %dma_wait3A_414] : memref<5x128x128xf32, #tpu.memory_space<vmem>> -> memref<1x128x128xf32, #tpu.memory_space<vmem>>
        %dma_wait3A_416 = tpu.memref_squeeze %dma_wait3A_415 : memref<1x128x128xf32, #tpu.memory_space<vmem>> -> memref<128x128xf32, #tpu.memory_space<vmem>>
        tpu.wait_dma2 semaphore(%dma_wait3A_410 : memref<!tpu.dma_semaphore, #tpu.memory_space<semaphore_mem>>) src(%dma_wait3A_416 : memref<128x128xf32, #tpu.memory_space<vmem>>) dst(%dma_wait3A_412 : memref<128x128xf32, #tpu.memory_space<hbm>>)
      } else {
      }
      %lt3A_307 = arith.constant 50 : i32
      %lt3A_308 = arith.cmpi slt, %add3A_298, %lt3A_307 : i32
      %convert_element_type3A_309 = arith.extui %lt3A_308 : i1 to i32
      %cond3A_310 = arith.constant 0 : i32
      %cond3A_311 = arith.cmpi ne, %convert_element_type3A_309, %cond3A_310 : i32
      scf.if %cond3A_311 {
        %dma_start3A_397 = arith.constant 1 : i32
        %dma_start3A_398 = arith.constant 1 : i32
        %dma_start3A_399 = arith.constant 0 : i32
        %dma_start3A_400 = arith.constant 0 : i32
        %dma_start3A_401 = tpu.memref_slice %arg6[%dma_start3A_397, %dma_start3A_399, %dma_start3A_400] : memref<5x128x128xf32, #tpu.memory_space<vmem>> -> memref<1x128x128xf32, #tpu.memory_space<vmem>>
        %dma_start3A_402 = tpu.memref_squeeze %dma_start3A_401 : memref<1x128x128xf32, #tpu.memory_space<vmem>> -> memref<128x128xf32, #tpu.memory_space<vmem>>
        %dma_start3A_403 = arith.constant 0 : i32
        %dma_start3A_404 = tpu.memref_slice %arg5[%add3A_298, %dma_start3A_403] : memref<50x128xi32, #tpu.memory_space<vmem>> -> memref<1x128xi32, #tpu.memory_space<vmem>>
        %dma_start3A_405 = tpu.memref_squeeze %dma_start3A_404 : memref<1x128xi32, #tpu.memory_space<vmem>> -> memref<128xi32, #tpu.memory_space<vmem>>
        %dma_start3A_406 = arith.constant 0 : i32
        %dma_start3A_407 = arith.constant 0 : i32
        %dma_start3A_408 = tpu.memref_slice %arg3[%dma_start3A_406, %dma_start3A_407] : memref<100001x128xf32, #tpu.memory_space<hbm>> -> memref<100001x128xf32, #tpu.memory_space<hbm>>
        %dma_start3A_409 = tpu.memref_slice %arg7[%dma_start3A_398] : memref<5x!tpu.dma_semaphore, #tpu.memory_space<semaphore_mem>> -> memref<1x!tpu.dma_semaphore, #tpu.memory_space<semaphore_mem>>
        %dma_start3A_410 = tpu.memref_squeeze %dma_start3A_409 : memref<1x!tpu.dma_semaphore, #tpu.memory_space<semaphore_mem>> -> memref<!tpu.dma_semaphore, #tpu.memory_space<semaphore_mem>>
        tpu.enqueue_indirect_dma source(%dma_start3A_408 : memref<100001x128xf32, #tpu.memory_space<hbm>>) target(%dma_start3A_402 : memref<128x128xf32, #tpu.memory_space<vmem>>) offsets(%dma_start3A_405 : memref<128xi32, #tpu.memory_space<vmem>>) semaphore(%dma_start3A_410 : memref<!tpu.dma_semaphore, #tpu.memory_space<semaphore_mem>>)
      } else {
      }
      %dma_wait3A_312 = arith.constant 3 : i32
      %dma_wait3A_313 = arith.constant 3 : i32
      %dma_wait3A_314 = arith.constant 0 : i32
      %dma_wait3A_315 = arith.constant 0 : i32
      %dma_wait3A_316 = tpu.memref_slice %arg6[%dma_wait3A_312, %dma_wait3A_314, %dma_wait3A_315] : memref<5x128x128xf32, #tpu.memory_space<vmem>> -> memref<1x128x128xf32, #tpu.memory_space<vmem>>
      %dma_wait3A_317 = tpu.memref_squeeze %dma_wait3A_316 : memref<1x128x128xf32, #tpu.memory_space<vmem>> -> memref<128x128xf32, #tpu.memory_space<vmem>>
      %dma_wait3A_318 = arith.constant 0 : i32
      %dma_wait3A_319 = tpu.memref_slice %arg5[%add3A_296, %dma_wait3A_318] : memref<50x128xi32, #tpu.memory_space<vmem>> -> memref<1x128xi32, #tpu.memory_space<vmem>>
      %dma_wait3A_320 = tpu.memref_squeeze %dma_wait3A_319 : memref<1x128xi32, #tpu.memory_space<vmem>> -> memref<128xi32, #tpu.memory_space<vmem>>
      %dma_wait3A_321 = arith.constant 0 : i32
      %dma_wait3A_322 = arith.constant 0 : i32
      %dma_wait3A_323 = tpu.memref_slice %arg3[%dma_wait3A_321, %dma_wait3A_322] : memref<100001x128xf32, #tpu.memory_space<hbm>> -> memref<100001x128xf32, #tpu.memory_space<hbm>>
      %dma_wait3A_324 = tpu.memref_slice %arg7[%dma_wait3A_313] : memref<5x!tpu.dma_semaphore, #tpu.memory_space<semaphore_mem>> -> memref<1x!tpu.dma_semaphore, #tpu.memory_space<semaphore_mem>>
      %dma_wait3A_325 = tpu.memref_squeeze %dma_wait3A_324 : memref<1x!tpu.dma_semaphore, #tpu.memory_space<semaphore_mem>> -> memref<!tpu.dma_semaphore, #tpu.memory_space<semaphore_mem>>
      tpu.wait_indirect_dma semaphore(%dma_wait3A_325 : memref<!tpu.dma_semaphore, #tpu.memory_space<semaphore_mem>>) src(%dma_wait3A_323 : memref<100001x128xf32, #tpu.memory_space<hbm>>) dst(%dma_wait3A_317 : memref<128x128xf32, #tpu.memory_space<vmem>>)
      %mul3A_326 = arith.constant 128 : i32
      %mul3A_327 = arith.muli %add3A_296, %mul3A_326 : i32
      %add3A_328 = arith.addi %mul3A_2, %mul3A_327 : i32
      %dma_start3A_329 = arith.constant 3 : i32
      %dma_start3A_330 = arith.constant 3 : i32
      %dma_start3A_331 = arith.constant 0 : i32
      %dma_start3A_332 = arith.constant 0 : i32
      %dma_start3A_333 = tpu.memref_slice %arg6[%dma_start3A_329, %dma_start3A_331, %dma_start3A_332] : memref<5x128x128xf32, #tpu.memory_space<vmem>> -> memref<1x128x128xf32, #tpu.memory_space<vmem>>
      %dma_start3A_334 = tpu.memref_squeeze %dma_start3A_333 : memref<1x128x128xf32, #tpu.memory_space<vmem>> -> memref<128x128xf32, #tpu.memory_space<vmem>>
      %dma_start3A_335 = arith.constant 0 : i32
      %dma_start3A_336 = tpu.memref_slice %arg4[%add3A_328, %dma_start3A_335] : memref<204800x128xf32, #tpu.memory_space<hbm>> -> memref<128x128xf32, #tpu.memory_space<hbm>>
      %dma_start3A_337 = tpu.memref_slice %arg8[%dma_start3A_330] : memref<5x!tpu.dma_semaphore, #tpu.memory_space<semaphore_mem>> -> memref<1x!tpu.dma_semaphore, #tpu.memory_space<semaphore_mem>>
      %dma_start3A_338 = tpu.memref_squeeze %dma_start3A_337 : memref<1x!tpu.dma_semaphore, #tpu.memory_space<semaphore_mem>> -> memref<!tpu.dma_semaphore, #tpu.memory_space<semaphore_mem>>
      %dma_start3A_339 = arith.constant 0 : i32
      %dma_start3A_340 = tpu.memref_slice %arg4[%add3A_328, %dma_start3A_339] : memref<204800x128xf32, #tpu.memory_space<hbm>> -> memref<128x128xf32, #tpu.memory_space<hbm>>
      %dma_start3A_341 = arith.constant 0 : i32
      %dma_start3A_342 = arith.constant 0 : i32
      %dma_start3A_343 = tpu.memref_slice %arg6[%dma_start3A_329, %dma_start3A_341, %dma_start3A_342] : memref<5x128x128xf32, #tpu.memory_space<vmem>> -> memref<1x128x128xf32, #tpu.memory_space<vmem>>
      %dma_start3A_344 = tpu.memref_squeeze %dma_start3A_343 : memref<1x128x128xf32, #tpu.memory_space<vmem>> -> memref<128x128xf32, #tpu.memory_space<vmem>>
      tpu.enqueue_dma source(%dma_start3A_344 : memref<128x128xf32, #tpu.memory_space<vmem>>) target(%dma_start3A_340 : memref<128x128xf32, #tpu.memory_space<hbm>>) target_semaphore(%dma_start3A_338 : memref<!tpu.dma_semaphore, #tpu.memory_space<semaphore_mem>>)
      %mul3A_345 = arith.constant 5 : i32
      %mul3A_346 = arith.muli %scan3A_141, %mul3A_345 : i32
      %add3A_347 = arith.constant 4 : i32
      %add3A_348 = arith.addi %mul3A_346, %add3A_347 : i32
      %add3A_349 = arith.constant 3 : i32
      %add3A_350 = arith.addi %add3A_348, %add3A_349 : i32
      %ge3A_351 = arith.constant 5 : i32
      %ge3A_352 = arith.cmpi sge, %add3A_350, %ge3A_351 : i32
      %lt3A_353 = arith.constant 50 : i32
      %lt3A_354 = arith.cmpi slt, %add3A_350, %lt3A_353 : i32
      %and3A_355 = arith.andi %ge3A_352, %lt3A_354 : i1
      %convert_element_type3A_356 = arith.extui %and3A_355 : i1 to i32
      %cond3A_357 = arith.constant 0 : i32
      %cond3A_358 = arith.cmpi ne, %convert_element_type3A_356, %cond3A_357 : i32
      scf.if %cond3A_358 {
        %sub3A = arith.constant 5 : i32
        %sub3A_397 = arith.subi %add3A_350, %sub3A : i32
        %mul3A_398 = arith.constant 128 : i32
        %mul3A_399 = arith.muli %sub3A_397, %mul3A_398 : i32
        %add3A_400 = arith.addi %mul3A_2, %mul3A_399 : i32
        %dma_wait3A_401 = arith.constant 2 : i32
        %dma_wait3A_402 = arith.constant 2 : i32
        %dma_wait3A_403 = arith.constant 0 : i32
        %dma_wait3A_404 = arith.constant 0 : i32
        %dma_wait3A_405 = tpu.memref_slice %arg6[%dma_wait3A_401, %dma_wait3A_403, %dma_wait3A_404] : memref<5x128x128xf32, #tpu.memory_space<vmem>> -> memref<1x128x128xf32, #tpu.memory_space<vmem>>
        %dma_wait3A_406 = tpu.memref_squeeze %dma_wait3A_405 : memref<1x128x128xf32, #tpu.memory_space<vmem>> -> memref<128x128xf32, #tpu.memory_space<vmem>>
        %dma_wait3A_407 = arith.constant 0 : i32
        %dma_wait3A_408 = tpu.memref_slice %arg4[%add3A_400, %dma_wait3A_407] : memref<204800x128xf32, #tpu.memory_space<hbm>> -> memref<128x128xf32, #tpu.memory_space<hbm>>
        %dma_wait3A_409 = tpu.memref_slice %arg8[%dma_wait3A_402] : memref<5x!tpu.dma_semaphore, #tpu.memory_space<semaphore_mem>> -> memref<1x!tpu.dma_semaphore, #tpu.memory_space<semaphore_mem>>
        %dma_wait3A_410 = tpu.memref_squeeze %dma_wait3A_409 : memref<1x!tpu.dma_semaphore, #tpu.memory_space<semaphore_mem>> -> memref<!tpu.dma_semaphore, #tpu.memory_space<semaphore_mem>>
        %dma_wait3A_411 = arith.constant 0 : i32
        %dma_wait3A_412 = tpu.memref_slice %arg4[%add3A_400, %dma_wait3A_411] : memref<204800x128xf32, #tpu.memory_space<hbm>> -> memref<128x128xf32, #tpu.memory_space<hbm>>
        %dma_wait3A_413 = arith.constant 0 : i32
        %dma_wait3A_414 = arith.constant 0 : i32
        %dma_wait3A_415 = tpu.memref_slice %arg6[%dma_wait3A_401, %dma_wait3A_413, %dma_wait3A_414] : memref<5x128x128xf32, #tpu.memory_space<vmem>> -> memref<1x128x128xf32, #tpu.memory_space<vmem>>
        %dma_wait3A_416 = tpu.memref_squeeze %dma_wait3A_415 : memref<1x128x128xf32, #tpu.memory_space<vmem>> -> memref<128x128xf32, #tpu.memory_space<vmem>>
        tpu.wait_dma2 semaphore(%dma_wait3A_410 : memref<!tpu.dma_semaphore, #tpu.memory_space<semaphore_mem>>) src(%dma_wait3A_416 : memref<128x128xf32, #tpu.memory_space<vmem>>) dst(%dma_wait3A_412 : memref<128x128xf32, #tpu.memory_space<hbm>>)
      } else {
      }
      %lt3A_359 = arith.constant 50 : i32
      %lt3A_360 = arith.cmpi slt, %add3A_350, %lt3A_359 : i32
      %convert_element_type3A_361 = arith.extui %lt3A_360 : i1 to i32
      %cond3A_362 = arith.constant 0 : i32
      %cond3A_363 = arith.cmpi ne, %convert_element_type3A_361, %cond3A_362 : i32
      scf.if %cond3A_363 {
        %dma_start3A_397 = arith.constant 2 : i32
        %dma_start3A_398 = arith.constant 2 : i32
        %dma_start3A_399 = arith.constant 0 : i32
        %dma_start3A_400 = arith.constant 0 : i32
        %dma_start3A_401 = tpu.memref_slice %arg6[%dma_start3A_397, %dma_start3A_399, %dma_start3A_400] : memref<5x128x128xf32, #tpu.memory_space<vmem>> -> memref<1x128x128xf32, #tpu.memory_space<vmem>>
        %dma_start3A_402 = tpu.memref_squeeze %dma_start3A_401 : memref<1x128x128xf32, #tpu.memory_space<vmem>> -> memref<128x128xf32, #tpu.memory_space<vmem>>
        %dma_start3A_403 = arith.constant 0 : i32
        %dma_start3A_404 = tpu.memref_slice %arg5[%add3A_350, %dma_start3A_403] : memref<50x128xi32, #tpu.memory_space<vmem>> -> memref<1x128xi32, #tpu.memory_space<vmem>>
        %dma_start3A_405 = tpu.memref_squeeze %dma_start3A_404 : memref<1x128xi32, #tpu.memory_space<vmem>> -> memref<128xi32, #tpu.memory_space<vmem>>
        %dma_start3A_406 = arith.constant 0 : i32
        %dma_start3A_407 = arith.constant 0 : i32
        %dma_start3A_408 = tpu.memref_slice %arg3[%dma_start3A_406, %dma_start3A_407] : memref<100001x128xf32, #tpu.memory_space<hbm>> -> memref<100001x128xf32, #tpu.memory_space<hbm>>
        %dma_start3A_409 = tpu.memref_slice %arg7[%dma_start3A_398] : memref<5x!tpu.dma_semaphore, #tpu.memory_space<semaphore_mem>> -> memref<1x!tpu.dma_semaphore, #tpu.memory_space<semaphore_mem>>
        %dma_start3A_410 = tpu.memref_squeeze %dma_start3A_409 : memref<1x!tpu.dma_semaphore, #tpu.memory_space<semaphore_mem>> -> memref<!tpu.dma_semaphore, #tpu.memory_space<semaphore_mem>>
        tpu.enqueue_indirect_dma source(%dma_start3A_408 : memref<100001x128xf32, #tpu.memory_space<hbm>>) target(%dma_start3A_402 : memref<128x128xf32, #tpu.memory_space<vmem>>) offsets(%dma_start3A_405 : memref<128xi32, #tpu.memory_space<vmem>>) semaphore(%dma_start3A_410 : memref<!tpu.dma_semaphore, #tpu.memory_space<semaphore_mem>>)
      } else {
      }
      %dma_wait3A_364 = arith.constant 4 : i32
      %dma_wait3A_365 = arith.constant 4 : i32
      %dma_wait3A_366 = arith.constant 0 : i32
      %dma_wait3A_367 = arith.constant 0 : i32
      %dma_wait3A_368 = tpu.memref_slice %arg6[%dma_wait3A_364, %dma_wait3A_366, %dma_wait3A_367] : memref<5x128x128xf32, #tpu.memory_space<vmem>> -> memref<1x128x128xf32, #tpu.memory_space<vmem>>
      %dma_wait3A_369 = tpu.memref_squeeze %dma_wait3A_368 : memref<1x128x128xf32, #tpu.memory_space<vmem>> -> memref<128x128xf32, #tpu.memory_space<vmem>>
      %dma_wait3A_370 = arith.constant 0 : i32
      %dma_wait3A_371 = tpu.memref_slice %arg5[%add3A_348, %dma_wait3A_370] : memref<50x128xi32, #tpu.memory_space<vmem>> -> memref<1x128xi32, #tpu.memory_space<vmem>>
      %dma_wait3A_372 = tpu.memref_squeeze %dma_wait3A_371 : memref<1x128xi32, #tpu.memory_space<vmem>> -> memref<128xi32, #tpu.memory_space<vmem>>
      %dma_wait3A_373 = arith.constant 0 : i32
      %dma_wait3A_374 = arith.constant 0 : i32
      %dma_wait3A_375 = tpu.memref_slice %arg3[%dma_wait3A_373, %dma_wait3A_374] : memref<100001x128xf32, #tpu.memory_space<hbm>> -> memref<100001x128xf32, #tpu.memory_space<hbm>>
      %dma_wait3A_376 = tpu.memref_slice %arg7[%dma_wait3A_365] : memref<5x!tpu.dma_semaphore, #tpu.memory_space<semaphore_mem>> -> memref<1x!tpu.dma_semaphore, #tpu.memory_space<semaphore_mem>>
      %dma_wait3A_377 = tpu.memref_squeeze %dma_wait3A_376 : memref<1x!tpu.dma_semaphore, #tpu.memory_space<semaphore_mem>> -> memref<!tpu.dma_semaphore, #tpu.memory_space<semaphore_mem>>
      tpu.wait_indirect_dma semaphore(%dma_wait3A_377 : memref<!tpu.dma_semaphore, #tpu.memory_space<semaphore_mem>>) src(%dma_wait3A_375 : memref<100001x128xf32, #tpu.memory_space<hbm>>) dst(%dma_wait3A_369 : memref<128x128xf32, #tpu.memory_space<vmem>>)
      %mul3A_378 = arith.constant 128 : i32
      %mul3A_379 = arith.muli %add3A_348, %mul3A_378 : i32
      %add3A_380 = arith.addi %mul3A_2, %mul3A_379 : i32
      %dma_start3A_381 = arith.constant 4 : i32
      %dma_start3A_382 = arith.constant 4 : i32
      %dma_start3A_383 = arith.constant 0 : i32
      %dma_start3A_384 = arith.constant 0 : i32
      %dma_start3A_385 = tpu.memref_slice %arg6[%dma_start3A_381, %dma_start3A_383, %dma_start3A_384] : memref<5x128x128xf32, #tpu.memory_space<vmem>> -> memref<1x128x128xf32, #tpu.memory_space<vmem>>
      %dma_start3A_386 = tpu.memref_squeeze %dma_start3A_385 : memref<1x128x128xf32, #tpu.memory_space<vmem>> -> memref<128x128xf32, #tpu.memory_space<vmem>>
      %dma_start3A_387 = arith.constant 0 : i32
      %dma_start3A_388 = tpu.memref_slice %arg4[%add3A_380, %dma_start3A_387] : memref<204800x128xf32, #tpu.memory_space<hbm>> -> memref<128x128xf32, #tpu.memory_space<hbm>>
      %dma_start3A_389 = tpu.memref_slice %arg8[%dma_start3A_382] : memref<5x!tpu.dma_semaphore, #tpu.memory_space<semaphore_mem>> -> memref<1x!tpu.dma_semaphore, #tpu.memory_space<semaphore_mem>>
      %dma_start3A_390 = tpu.memref_squeeze %dma_start3A_389 : memref<1x!tpu.dma_semaphore, #tpu.memory_space<semaphore_mem>> -> memref<!tpu.dma_semaphore, #tpu.memory_space<semaphore_mem>>
      %dma_start3A_391 = arith.constant 0 : i32
      %dma_start3A_392 = tpu.memref_slice %arg4[%add3A_380, %dma_start3A_391] : memref<204800x128xf32, #tpu.memory_space<hbm>> -> memref<128x128xf32, #tpu.memory_space<hbm>>
      %dma_start3A_393 = arith.constant 0 : i32
      %dma_start3A_394 = arith.constant 0 : i32
      %dma_start3A_395 = tpu.memref_slice %arg6[%dma_start3A_381, %dma_start3A_393, %dma_start3A_394] : memref<5x128x128xf32, #tpu.memory_space<vmem>> -> memref<1x128x128xf32, #tpu.memory_space<vmem>>
      %dma_start3A_396 = tpu.memref_squeeze %dma_start3A_395 : memref<1x128x128xf32, #tpu.memory_space<vmem>> -> memref<128x128xf32, #tpu.memory_space<vmem>>
      tpu.enqueue_dma source(%dma_start3A_396 : memref<128x128xf32, #tpu.memory_space<vmem>>) target(%dma_start3A_392 : memref<128x128xf32, #tpu.memory_space<hbm>>) target_semaphore(%dma_start3A_390 : memref<!tpu.dma_semaphore, #tpu.memory_space<semaphore_mem>>)
    }
    %scan3A_51 = arith.constant 10 : i32
    %add3A_52 = arith.constant 5760 : i32
    %add3A_53 = arith.addi %mul3A_2, %add3A_52 : i32
    %dma_wait3A = arith.constant 0 : i32
    %dma_wait3A_54 = arith.constant 0 : i32
    %dma_wait3A_55 = arith.constant 0 : i32
    %dma_wait3A_56 = arith.constant 0 : i32
    %dma_wait3A_57 = tpu.memref_slice %arg6[%dma_wait3A, %dma_wait3A_55, %dma_wait3A_56] : memref<5x128x128xf32, #tpu.memory_space<vmem>> -> memref<1x128x128xf32, #tpu.memory_space<vmem>>
    %dma_wait3A_58 = tpu.memref_squeeze %dma_wait3A_57 : memref<1x128x128xf32, #tpu.memory_space<vmem>> -> memref<128x128xf32, #tpu.memory_space<vmem>>
    %dma_wait3A_59 = arith.constant 0 : i32
    %dma_wait3A_60 = tpu.memref_slice %arg4[%add3A_53, %dma_wait3A_59] : memref<204800x128xf32, #tpu.memory_space<hbm>> -> memref<128x128xf32, #tpu.memory_space<hbm>>
    %dma_wait3A_61 = tpu.memref_slice %arg8[%dma_wait3A_54] : memref<5x!tpu.dma_semaphore, #tpu.memory_space<semaphore_mem>> -> memref<1x!tpu.dma_semaphore, #tpu.memory_space<semaphore_mem>>
    %dma_wait3A_62 = tpu.memref_squeeze %dma_wait3A_61 : memref<1x!tpu.dma_semaphore, #tpu.memory_space<semaphore_mem>> -> memref<!tpu.dma_semaphore, #tpu.memory_space<semaphore_mem>>
    %dma_wait3A_63 = arith.constant 0 : i32
    %dma_wait3A_64 = tpu.memref_slice %arg4[%add3A_53, %dma_wait3A_63] : memref<204800x128xf32, #tpu.memory_space<hbm>> -> memref<128x128xf32, #tpu.memory_space<hbm>>
    %dma_wait3A_65 = arith.constant 0 : i32
    %dma_wait3A_66 = arith.constant 0 : i32
    %dma_wait3A_67 = tpu.memref_slice %arg6[%dma_wait3A, %dma_wait3A_65, %dma_wait3A_66] : memref<5x128x128xf32, #tpu.memory_space<vmem>> -> memref<1x128x128xf32, #tpu.memory_space<vmem>>
    %dma_wait3A_68 = tpu.memref_squeeze %dma_wait3A_67 : memref<1x128x128xf32, #tpu.memory_space<vmem>> -> memref<128x128xf32, #tpu.memory_space<vmem>>
    tpu.wait_dma2 semaphore(%dma_wait3A_62 : memref<!tpu.dma_semaphore, #tpu.memory_space<semaphore_mem>>) src(%dma_wait3A_68 : memref<128x128xf32, #tpu.memory_space<vmem>>) dst(%dma_wait3A_64 : memref<128x128xf32, #tpu.memory_space<hbm>>)
    %add3A_69 = arith.constant 5888 : i32
    %add3A_70 = arith.addi %mul3A_2, %add3A_69 : i32
    %dma_wait3A_71 = arith.constant 1 : i32
    %dma_wait3A_72 = arith.constant 1 : i32
    %dma_wait3A_73 = arith.constant 0 : i32
    %dma_wait3A_74 = arith.constant 0 : i32
    %dma_wait3A_75 = tpu.memref_slice %arg6[%dma_wait3A_71, %dma_wait3A_73, %dma_wait3A_74] : memref<5x128x128xf32, #tpu.memory_space<vmem>> -> memref<1x128x128xf32, #tpu.memory_space<vmem>>
    %dma_wait3A_76 = tpu.memref_squeeze %dma_wait3A_75 : memref<1x128x128xf32, #tpu.memory_space<vmem>> -> memref<128x128xf32, #tpu.memory_space<vmem>>
    %dma_wait3A_77 = arith.constant 0 : i32
    %dma_wait3A_78 = tpu.memref_slice %arg4[%add3A_70, %dma_wait3A_77] : memref<204800x128xf32, #tpu.memory_space<hbm>> -> memref<128x128xf32, #tpu.memory_space<hbm>>
    %dma_wait3A_79 = tpu.memref_slice %arg8[%dma_wait3A_72] : memref<5x!tpu.dma_semaphore, #tpu.memory_space<semaphore_mem>> -> memref<1x!tpu.dma_semaphore, #tpu.memory_space<semaphore_mem>>
    %dma_wait3A_80 = tpu.memref_squeeze %dma_wait3A_79 : memref<1x!tpu.dma_semaphore, #tpu.memory_space<semaphore_mem>> -> memref<!tpu.dma_semaphore, #tpu.memory_space<semaphore_mem>>
    %dma_wait3A_81 = arith.constant 0 : i32
    %dma_wait3A_82 = tpu.memref_slice %arg4[%add3A_70, %dma_wait3A_81] : memref<204800x128xf32, #tpu.memory_space<hbm>> -> memref<128x128xf32, #tpu.memory_space<hbm>>
    %dma_wait3A_83 = arith.constant 0 : i32
    %dma_wait3A_84 = arith.constant 0 : i32
    %dma_wait3A_85 = tpu.memref_slice %arg6[%dma_wait3A_71, %dma_wait3A_83, %dma_wait3A_84] : memref<5x128x128xf32, #tpu.memory_space<vmem>> -> memref<1x128x128xf32, #tpu.memory_space<vmem>>
    %dma_wait3A_86 = tpu.memref_squeeze %dma_wait3A_85 : memref<1x128x128xf32, #tpu.memory_space<vmem>> -> memref<128x128xf32, #tpu.memory_space<vmem>>
    tpu.wait_dma2 semaphore(%dma_wait3A_80 : memref<!tpu.dma_semaphore, #tpu.memory_space<semaphore_mem>>) src(%dma_wait3A_86 : memref<128x128xf32, #tpu.memory_space<vmem>>) dst(%dma_wait3A_82 : memref<128x128xf32, #tpu.memory_space<hbm>>)
    %add3A_87 = arith.constant 6016 : i32
    %add3A_88 = arith.addi %mul3A_2, %add3A_87 : i32
    %dma_wait3A_89 = arith.constant 2 : i32
    %dma_wait3A_90 = arith.constant 2 : i32
    %dma_wait3A_91 = arith.constant 0 : i32
    %dma_wait3A_92 = arith.constant 0 : i32
    %dma_wait3A_93 = tpu.memref_slice %arg6[%dma_wait3A_89, %dma_wait3A_91, %dma_wait3A_92] : memref<5x128x128xf32, #tpu.memory_space<vmem>> -> memref<1x128x128xf32, #tpu.memory_space<vmem>>
    %dma_wait3A_94 = tpu.memref_squeeze %dma_wait3A_93 : memref<1x128x128xf32, #tpu.memory_space<vmem>> -> memref<128x128xf32, #tpu.memory_space<vmem>>
    %dma_wait3A_95 = arith.constant 0 : i32
    %dma_wait3A_96 = tpu.memref_slice %arg4[%add3A_88, %dma_wait3A_95] : memref<204800x128xf32, #tpu.memory_space<hbm>> -> memref<128x128xf32, #tpu.memory_space<hbm>>
    %dma_wait3A_97 = tpu.memref_slice %arg8[%dma_wait3A_90] : memref<5x!tpu.dma_semaphore, #tpu.memory_space<semaphore_mem>> -> memref<1x!tpu.dma_semaphore, #tpu.memory_space<semaphore_mem>>
    %dma_wait3A_98 = tpu.memref_squeeze %dma_wait3A_97 : memref<1x!tpu.dma_semaphore, #tpu.memory_space<semaphore_mem>> -> memref<!tpu.dma_semaphore, #tpu.memory_space<semaphore_mem>>
    %dma_wait3A_99 = arith.constant 0 : i32
    %dma_wait3A_100 = tpu.memref_slice %arg4[%add3A_88, %dma_wait3A_99] : memref<204800x128xf32, #tpu.memory_space<hbm>> -> memref<128x128xf32, #tpu.memory_space<hbm>>
    %dma_wait3A_101 = arith.constant 0 : i32
    %dma_wait3A_102 = arith.constant 0 : i32
    %dma_wait3A_103 = tpu.memref_slice %arg6[%dma_wait3A_89, %dma_wait3A_101, %dma_wait3A_102] : memref<5x128x128xf32, #tpu.memory_space<vmem>> -> memref<1x128x128xf32, #tpu.memory_space<vmem>>
    %dma_wait3A_104 = tpu.memref_squeeze %dma_wait3A_103 : memref<1x128x128xf32, #tpu.memory_space<vmem>> -> memref<128x128xf32, #tpu.memory_space<vmem>>
    tpu.wait_dma2 semaphore(%dma_wait3A_98 : memref<!tpu.dma_semaphore, #tpu.memory_space<semaphore_mem>>) src(%dma_wait3A_104 : memref<128x128xf32, #tpu.memory_space<vmem>>) dst(%dma_wait3A_100 : memref<128x128xf32, #tpu.memory_space<hbm>>)
    %add3A_105 = arith.constant 6144 : i32
    %add3A_106 = arith.addi %mul3A_2, %add3A_105 : i32
    %dma_wait3A_107 = arith.constant 3 : i32
    %dma_wait3A_108 = arith.constant 3 : i32
    %dma_wait3A_109 = arith.constant 0 : i32
    %dma_wait3A_110 = arith.constant 0 : i32
    %dma_wait3A_111 = tpu.memref_slice %arg6[%dma_wait3A_107, %dma_wait3A_109, %dma_wait3A_110] : memref<5x128x128xf32, #tpu.memory_space<vmem>> -> memref<1x128x128xf32, #tpu.memory_space<vmem>>
    %dma_wait3A_112 = tpu.memref_squeeze %dma_wait3A_111 : memref<1x128x128xf32, #tpu.memory_space<vmem>> -> memref<128x128xf32, #tpu.memory_space<vmem>>
    %dma_wait3A_113 = arith.constant 0 : i32
    %dma_wait3A_114 = tpu.memref_slice %arg4[%add3A_106, %dma_wait3A_113] : memref<204800x128xf32, #tpu.memory_space<hbm>> -> memref<128x128xf32, #tpu.memory_space<hbm>>
    %dma_wait3A_115 = tpu.memref_slice %arg8[%dma_wait3A_108] : memref<5x!tpu.dma_semaphore, #tpu.memory_space<semaphore_mem>> -> memref<1x!tpu.dma_semaphore, #tpu.memory_space<semaphore_mem>>
    %dma_wait3A_116 = tpu.memref_squeeze %dma_wait3A_115 : memref<1x!tpu.dma_semaphore, #tpu.memory_space<semaphore_mem>> -> memref<!tpu.dma_semaphore, #tpu.memory_space<semaphore_mem>>
    %dma_wait3A_117 = arith.constant 0 : i32
    %dma_wait3A_118 = tpu.memref_slice %arg4[%add3A_106, %dma_wait3A_117] : memref<204800x128xf32, #tpu.memory_space<hbm>> -> memref<128x128xf32, #tpu.memory_space<hbm>>
    %dma_wait3A_119 = arith.constant 0 : i32
    %dma_wait3A_120 = arith.constant 0 : i32
    %dma_wait3A_121 = tpu.memref_slice %arg6[%dma_wait3A_107, %dma_wait3A_119, %dma_wait3A_120] : memref<5x128x128xf32, #tpu.memory_space<vmem>> -> memref<1x128x128xf32, #tpu.memory_space<vmem>>
    %dma_wait3A_122 = tpu.memref_squeeze %dma_wait3A_121 : memref<1x128x128xf32, #tpu.memory_space<vmem>> -> memref<128x128xf32, #tpu.memory_space<vmem>>
    tpu.wait_dma2 semaphore(%dma_wait3A_116 : memref<!tpu.dma_semaphore, #tpu.memory_space<semaphore_mem>>) src(%dma_wait3A_122 : memref<128x128xf32, #tpu.memory_space<vmem>>) dst(%dma_wait3A_118 : memref<128x128xf32, #tpu.memory_space<hbm>>)
    %add3A_123 = arith.constant 6272 : i32
    %add3A_124 = arith.addi %mul3A_2, %add3A_123 : i32
    %dma_wait3A_125 = arith.constant 4 : i32
    %dma_wait3A_126 = arith.constant 4 : i32
    %dma_wait3A_127 = arith.constant 0 : i32
    %dma_wait3A_128 = arith.constant 0 : i32
    %dma_wait3A_129 = tpu.memref_slice %arg6[%dma_wait3A_125, %dma_wait3A_127, %dma_wait3A_128] : memref<5x128x128xf32, #tpu.memory_space<vmem>> -> memref<1x128x128xf32, #tpu.memory_space<vmem>>
    %dma_wait3A_130 = tpu.memref_squeeze %dma_wait3A_129 : memref<1x128x128xf32, #tpu.memory_space<vmem>> -> memref<128x128xf32, #tpu.memory_space<vmem>>
    %dma_wait3A_131 = arith.constant 0 : i32
    %dma_wait3A_132 = tpu.memref_slice %arg4[%add3A_124, %dma_wait3A_131] : memref<204800x128xf32, #tpu.memory_space<hbm>> -> memref<128x128xf32, #tpu.memory_space<hbm>>
    %dma_wait3A_133 = tpu.memref_slice %arg8[%dma_wait3A_126] : memref<5x!tpu.dma_semaphore, #tpu.memory_space<semaphore_mem>> -> memref<1x!tpu.dma_semaphore, #tpu.memory_space<semaphore_mem>>
    %dma_wait3A_134 = tpu.memref_squeeze %dma_wait3A_133 : memref<1x!tpu.dma_semaphore, #tpu.memory_space<semaphore_mem>> -> memref<!tpu.dma_semaphore, #tpu.memory_space<semaphore_mem>>
    %dma_wait3A_135 = arith.constant 0 : i32
    %dma_wait3A_136 = tpu.memref_slice %arg4[%add3A_124, %dma_wait3A_135] : memref<204800x128xf32, #tpu.memory_space<hbm>> -> memref<128x128xf32, #tpu.memory_space<hbm>>
    %dma_wait3A_137 = arith.constant 0 : i32
    %dma_wait3A_138 = arith.constant 0 : i32
    %dma_wait3A_139 = tpu.memref_slice %arg6[%dma_wait3A_125, %dma_wait3A_137, %dma_wait3A_138] : memref<5x128x128xf32, #tpu.memory_space<vmem>> -> memref<1x128x128xf32, #tpu.memory_space<vmem>>
    %dma_wait3A_140 = tpu.memref_squeeze %dma_wait3A_139 : memref<1x128x128xf32, #tpu.memory_space<vmem>> -> memref<128x128xf32, #tpu.memory_space<vmem>>
    tpu.wait_dma2 semaphore(%dma_wait3A_134 : memref<!tpu.dma_semaphore, #tpu.memory_space<semaphore_mem>>) src(%dma_wait3A_140 : memref<128x128xf32, #tpu.memory_space<vmem>>) dst(%dma_wait3A_136 : memref<128x128xf32, #tpu.memory_space<hbm>>)
    return
  }
}

</mosaic_0001>

<sc_bundles>
// kernel: kernel.3.cloned.1.call-start
scs
__scs_entry_jumppad:
0x0: {  	(pc) =	sbr.rel $0x88, $3  }
0x1: {  	(tag) =	ssettag $0x0;
	lr =	simm.s32 $0x1  }
0x2: {  	[smem:$0x3F9F] =	sst lr;
	_ =	strace $0xD0000000  }
0x3: {  	_ = 	snop  }
0x4: {  	_ = 	snop  }
0x5: {  	_ = 	snop  }
0x6: {  	_ = 	snop  }
0x7: {  	_ = 	snop  }
__scs_overlays_trampoline_lowered:
0x8: {  	[smem:$0x3FAE] =	sst s0  }
0x9: {  	[smem:$0x3FAF] =	sst s1  }
0xa: {  	[smem:$0x3FB0] =	sst s2  }
0xb: {  	[smem:$0x3FB1] =	sst s3  }
0xc: {  	[smem:$0x3FB2] =	sst s4  }
0xd: {  	[smem:$0x3FB3] =	sst s5  }
0xe: {  	[smem:$0x3FB4] =	sst s6  }
0xf: {  	[smem:$0x3FB5] =	sst s7  }
0x10: {  	[smem:$0x3FB6] =	sst s8  }
0x11: {  	[smem:$0x3FB7] =	sst s9;
	s0 =	simm.s32 @!p0 $0x0  }
0x12: {  	s1 =	sld [smem:$0x3F9D];
	s0 =	simm.s32 @p0 $0x1  }
0x13: {  	[smem:$0x3FB8] =	sst s0;
	s0 =	simm.s32 @!p1 $0x0  }
0x14: {  	s2 =	sld [smem:$0x3F9C];
	s0 =	simm.s32 @p1 $0x1  }
0x15: {  	[smem:$0x3FB9] =	sst s0;
	s0 =	simm.s32 @!p2 $0x0  }
0x16: {  	s3 =	sld [smem:$0x3FDB];
	s0 =	simm.s32 @p2 $0x1  }
0x17: {  	s4 =	simm.s32 $0x1BF5;
	[smem:$0x3FBB] =	sst s0  }
0x18: {  	s0 =	sld [smem:$0x3F9E];
	_ =	swait.ge [sflag:s4], $0x0  }
0x19: {  	s7 =	sld [smem:$0x3F9F]  }
0x1a: {  	s8 =	sadd.s32 $0xFFFFE003, lr  }
0x1b: {  	s9 =	sadd.s32 $0xFFFFFEF7, lr;
	s5 =	simm.s32 $0xFFFFFFFF;
	p2 =	slt.u32 s8, $0xFFFFF086  }
0x1c: {  	p1 =	slt.u32 s9, $0xF7A;
	s5 =	simm.s32 @!p2 $0x0  }
0x1d: {  	s5 =	simm.s32 @p1 $0x1;
	p0 =	seq.s32 s7, s2  }
0x1e: {  	s7 =	smul.u32 @!p0 $0xF7A, s2;
	p2 =	seq.s32 @!p0 s5, $0x0  }
0x1f: {  	s9 =	smul.u32 $0xF7A, s1;
	s8 =	simm.s32 @!p0 $0x1BF5;
	p2 =	por !p2, p0  }
0x20: {  	[sflag:s8] =	ssyncset.s32 @!p0 $0xFFFFF086;
	s6 =	sadd.s32 @!p0 s3, s7;
	s7 =	simm.s32 @!p0 $0x108  }
0x21: {  	s3 =	sadd.s32 s3, s9;
	s6 =	sadd.s32 @!p0 $0x88, s6;
	s7 =	simm.s32 @p2 $0x1082  }
0x22: {  	[simem:s7], [sflag:s8] =	dma.local @!p0 [hbm:s6], $0xF7A  }
0x23: {  	s9 =	sor.u32 $0xD0000000, s2;
	s6 =	simm.s32 $0x108;
	_ =	swait.ge @!p0 [sflag:s8], $0x0  }
0x24: {  	s3 =	sadd.s32 $0x88, s3;
	s6 =	simm.s32 @!p1 $0x1082;
	[sflag:s4] =	ssyncset.s32 $0xFFFFF086  }
0x25: {  	[simem:s6], [sflag:s4] =	dma.local [hbm:s3], $0xF7A  }
0x26: {  	[smem:$0x3F9F] =	sst s1;
	(tag) =	ssettag s2;
	_ =	strace s9  }
0x27: {  	s1 =	sld [smem:$0x3FAF]  }
0x28: {  	s2 =	sld [smem:$0x3FB0]  }
0x29: {  	s4 =	sld [smem:$0x3FB2]  }
0x2a: {  	p0 =	seq.s32 s5, $0x0;
	s5 =	sld [smem:$0x3FB3]  }
0x2b: {  	s6 =	sld [smem:$0x3FB4]  }
0x2c: {  	s7 =	sld [smem:$0x3FB5]  }
0x2d: {  	s3 =	simm.s32 $0x108;
	s8 =	sld [smem:$0x3FB6]  }
0x2e: {  	s3 =	simm.s32 @!p0 $0x1082;
	s9 =	sld [smem:$0x3FB7]  }
0x2f: {  	lr =	sadd.s32 s0, s3;
	s0 =	sld [smem:$0x3FAE]  }
0x30: {  	s3 =	sld [smem:$0x3FB1]  }
0x31: {  	[smem:$0x3FBA] =	sst s10  }
0x32: {  	s10 =	sld [smem:$0x3FB8];
	_ =	sdelay $0x3  }
0x33: {  	p0 =	seq.s32 s10, $0x1;
	s10 =	sld [smem:$0x3FBA];
	_ =	sdelay $0x3  }
0x34: {  	[smem:$0x3FBA] =	sst s10  }
0x35: {  	s10 =	sld [smem:$0x3FB9];
	_ =	sdelay $0x3  }
0x36: {  	p1 =	seq.s32 s10, $0x1;
	s10 =	sld [smem:$0x3FBA];
	_ =	sdelay $0x3  }
0x37: {  	[smem:$0x3FBA] =	sst s10  }
0x38: {  	s10 =	sld [smem:$0x3FBB]  }
0x39: {  	_ = 	snop;
	(pc) =	sbr.ind lr, $3  }
0x3a: {  	_ = 	snop  }
0x3b: {  	_ = 	snop  }
0x3c: {  	p2 =	seq.s32 s10, $0x1;
	s10 =	sld [smem:$0x3FBA]  }
0x3d: {  	_ =	shalt  }
0x3e: {  	_ =	shalt  }
0x3f: {  	_ =	shalt  }
0x40: {  	_ =	shalt  }
0x41: {  	_ =	shalt  }
0x42: {  	_ =	shalt  }
0x43: {  	_ =	shalt  }
0x44: {  	_ =	shalt  }
0x45: {  	_ =	shalt  }
0x46: {  	_ =	shalt  }
0x47: {  	_ =	shalt  }
0x48: {  	_ =	shalt  }
0x49: {  	_ =	shalt  }
0x4a: {  	_ =	shalt  }
0x4b: {  	_ =	shalt  }
0x4c: {  	_ =	shalt  }
0x4d: {  	_ =	shalt  }
0x4e: {  	_ =	shalt  }
0x4f: {  	_ =	shalt  }
0x50: {  	_ =	shalt  }
0x51: {  	_ =	shalt  }
0x52: {  	_ =	shalt  }
0x53: {  	_ =	shalt  }
0x54: {  	_ =	shalt  }
0x55: {  	_ =	shalt  }
0x56: {  	_ =	shalt  }
0x57: {  	_ =	shalt  }
0x58: {  	_ =	shalt  }
0x59: {  	_ =	shalt  }
0x5a: {  	_ =	shalt  }
0x5b: {  	_ =	shalt  }
0x5c: {  	_ =	shalt  }
0x5d: {  	_ =	shalt  }
0x5e: {  	_ =	shalt  }
0x5f: {  	_ =	shalt  }
0x60: {  	_ =	shalt  }
0x61: {  	_ =	shalt  }
0x62: {  	_ =	shalt  }
0x63: {  	_ =	shalt  }
0x64: {  	_ =	shalt  }
0x65: {  	_ =	shalt  }
0x66: {  	_ =	shalt  }
0x67: {  	_ =	shalt  }
0x68: {  	_ =	shalt  }
0x69: {  	_ =	shalt  }
0x6a: {  	_ =	shalt  }
0x6b: {  	_ =	shalt  }
0x6c: {  	_ =	shalt  }
0x6d: {  	_ =	shalt  }
0x6e: {  	_ =	shalt  }
0x6f: {  	_ =	shalt  }
0x70: {  	_ =	shalt  }
0x71: {  	_ =	shalt  }
0x72: {  	_ =	shalt  }
0x73: {  	_ =	shalt  }
0x74: {  	_ =	shalt  }
0x75: {  	_ =	shalt  }
0x76: {  	_ =	shalt  }
0x77: {  	_ =	shalt  }
0x78: {  	_ =	shalt  }
0x79: {  	_ =	shalt  }
0x7a: {  	_ =	shalt  }
0x7b: {  	_ =	shalt  }
0x7c: {  	_ =	shalt  }
0x7d: {  	_ =	shalt  }
0x7e: {  	_ =	shalt  }
0x7f: {  	_ =	shalt  }
0x80: {  	_ =	shalt  }
0x81: {  	_ =	shalt  }
0x82: {  	_ =	shalt  }
0x83: {  	_ =	shalt  }
0x84: {  	_ =	shalt  }
0x85: {  	_ =	shalt  }
0x86: {  	_ =	shalt  }
0x87: {  	_ =	shalt  }
.Lfunc_end0:
.L_simem_size_0:
called_computation_lowered:
.L_overlay_start_0:
0x88: {  	s2 =	sld [smem:$0x3FD9]  }
0x89: {  	s3 =	sld [smem:$0x3FFE];
	_ =	sdelay $0x1  }
0x8a: {  	s1 =	srdreg.scid  }
0x8b: {  	s0 =	sand.u32 $0x1, s1  }
0x8c: {  	s17 =	sshll.u32 s0, $0xA;
	s2 =	sadd.s32 s3, s2  }
0x8d: {  	s2 =	sadd.s32 s2, s17  }
0x8e: {  	[smem:$0x3FC6] =	sst s2  }
0x8f: {  	_ = 	snop  }
0x90: {  	s2 =	sld [smem:$0x3FC8]  }
0x91: {  	s18 =	sld [smem:$0x3FD0];
	(tm) =	ssettm $0x1  }
0x92: {  	s4 =	sld [smem:$0x3FFB];
	_ =	sdelay $0x3  }
0x93: {  	_ =	strace s4  }
0x94: {  	s4 =	sld [smem:$0x3FFC];
	_ =	sdelay $0x3  }
0x95: {  	_ =	strace s4  }
0x96: {  	s4 =	sld [smem:$0x3FFD];
	_ =	sdelay $0x3  }
0x97: {  	_ =	strace s4  }
0x98: {  	_ =	strace $0x8FFFFFFF  }
0x99: {  	s19 =	sld [smem:$0x3FDB];
	_ =	sdelay $0x1  }
0x9a: {  	s5 =	simm.s32 $_scs_section_size  }
0x9b: {  	s6 =	simm.s32 $_size__tile_overlayer_lowered;
	s7 =	simm.s32 $_tile_overlayer_lowered  }
0x9c: {  	s22 =	simm.s32 $0x1BFF;
	s21 =	sshll.u32 s7, $0x1;
	s4 =	sadd.s32 s5, s19  }
0x9d: {  	s8 =	simm.s32 $0x0;
	s20 =	sshll.u32 s6, $0x1;
	s6 =	sadd.s32 s21, s4  }
0x9e: {  	[timem:s8], [sflag:s22] =	dma.local [hbm:s6], s20  }
0x9f: {  	_ =	swait.ge [sflag:s22], s20  }
0xa0: {  	s5 =	ssub.s32 $0x0, s20;
	[sflag:s22] =	ssyncset.done $0x0  }
0xa1: {  	[sflag:s22] =	ssyncadd.s32 s5;
	_ =	sdelay $0x1  }
0xa2: {  	s23 =	simm.s32 $0x1B8B  }
0xa3: {  	_ =	swait.ge [sflag:s23], $0x1  }
0xa4: {  	[sflag:s23] =	ssyncset.done $0x0  }
0xa5: {  	s25 =	simm.s32 $0x1B8E;
	s24 =	sld [smem:$0x3FFE];
	[sflag:s23] =	ssyncadd.s32 $0xFFFFFFFF  }
0xa6: {  	s26 =	simm.s32 $execute0_lowered;
	[smem:$0x3FD2] =	sst s25  }
0xa7: {  	s6 =	sshll.u32 s26, $0x1;
	_ =	strace $0x80000046;
	[dreg:$0x1] =	wrdreg $0xFFFFFFFF  }
0xa8: {  	s28 =	simm.s32 $_size_execute0_lowered;
	s4 =	sadd.s32 s4, s6;
	[dreg:$0x0] =	wrdreg $0x0  }
0xa9: {  	s6 =	sshll.u32 s28, $0x1;
	[dreg:$0x2] =	wrdreg s4  }
0xaa: {  	[dreg:$0x3] =	wrdreg s6  }
0xab: {  	[dreg:$0x4] =	wrdreg $0xC0  }
0xac: {  	_ =	task [dreg:s8], $0x5FFFF  }
0xad: {  	[dreg:$0x1] =	wrdreg $0xFFFFFFFF  }
0xae: {  	[dreg:$0x0] =	wrdreg $0x60  }
0xaf: {  	[dreg:$0x2] =	wrdreg s24  }
0xb0: {  	[dreg:$0x3] =	wrdreg s2  }
0xb1: {  	[dreg:$0x4] =	wrdreg s18  }
0xb2: {  	[dreg:$0x5] =	wrdreg $0x9  }
0xb3: {  	_ =	task.clear_ibuf [dreg:s8], $0x6FFFF;
	_ =	strace $0x90000046  }
0xb4: {  	s29 =	simm.s32 $0x9;
	_ =	strace $0x80000048  }
0xb5: {  	_ =	swait.ge [sflag:s29], $0x1  }
0xb6: {  	[sflag:s29] =	ssyncadd.s32 $0xFFFFFFFF  }
0xb7: {  	_ =	strace $0x90000048  }
0xb8: {  	_ =	sfence  }
0xb9: {  	s30 =	sld [smem:$0x0];
	_ =	sdelay $0x2  }
0xba: {  	s31 =	sshll.u32 s1, $0xD;
	s1 =	sshrl.u32 s1, $0x2  }
0xbb: {  	s3 =	sand.u32 $0x4000, s31;
	s1 =	sadd.s32 s1, s30  }
0xbc: {  	s0 =	sor.u32 s3, s0;
	s1 =	sshll.u32 s1, $0x11  }
0xbd: {  	s0 =	sor.u32 s1, s0  }
0xbe: {  	s0 =	sadd.s32 $0x8F2B, s0  }
0xbf: {  	[sflag:s0] =	ssyncadd.remote.s32 $0x1  }
0xc0: {  	_ =	sfence.sel $0xFFFF  }
0xc1: {  	[dreg:$0x0] =	wrdreg $0xFFFFFFFF;
	(pc) =	sbr.abs _section_cstart, $3  }
0xc2: {  	[dreg:$0x1] =	wrdreg $0xFFFFFFFF  }
0xc3: {  	_ =	task.clear_ibuf [dreg:s8], $0x2FFFF;
	_ =	strace $0x9FFFFFFF  }
0xc4: {  	(tm) =	ssettm $0x7FFFFFFF  }
0xc5: {  	_ =	shalt  }
tec
execute0_lowered:
.L_overlay_start_1:
0x0: {  	(tag) =	ssettag $0x1  }
0x1: {  	s0 =	srdreg.scid;
	s3 =	rddreg [dreg:$0x0]  }
0x2: {  	s10 =	stileid.u32;
	s2 =	rddreg [dreg:$0x1]  }
0x3: {  	s4 =	simm.s32 $0x0;
	s11 =	simm.s32 $0x5C00;
	s14 =	simm.s32 $0xDC00  }
0x4: {  	s15 =	simm.s32 $0x1;
	s16 =	simm.s32 $0x11C00;
	s17 =	simm.s32 $0x2  }
0x5: {  	s18 =	simm.s32 $0x4;
	s19 =	simm.s32 $0x5;
	s22 =	simm.s32 $0x8  }
0x6: {  	s0 =	sand.u32 $0x1, s0;
	s1 =	sshll.u32 s10, $0x1;
	s7 =	smul.u32 $0x190000, s10  }
0x7: {  	s23 =	simm.s32 $0x9;
	s26 =	smul.u32 $0x32000, s10;
	s5 =	sor.u32 s0, s1  }
0x8: {  	s24 =	simm.s32 $0xA;
	[smem:$0x7FF] =	sst s4;
	s6 =	smul.u32 $0x380, s5  }
0x9: {  	s10 =	simm.s32 $0x1C00;
	s1 =	rddreg [dreg:$0x2];
	s5 =	smul.u32 $0x19000, s5  }
0xa: {  	_ =	strace $0x80000047;
	s8 =	ssub.s32 $0x2, s0;
	s9 =	smul.u32 $0xC8000, s0  }
0xb: {  	s0 =	smul.u32 $0x19000, s0;
	s25 =	sshrl.u32 s8, $0x1;
	s5 =	sadd.s32 s1, s5  }
0xc: {  	s7 =	sadd.s32 s9, s7;
	s3 =	sadd.s32 s6, s3;
	s5 =	sadd.s32 $0x17800, s5  }
0xd: {  	s28 =	sadd.s32 $0x10000, s7;
	s3 =	sadd.s32 $0x400, s3;
	[dreg:$0x4] =	wrdreg s5  }
0xe: {  	s6 =	ssub.s32 s8, s25;
	s29 =	sshrl.u32 s28, $0x3;
	[dreg:$0x7] =	wrdreg s3  }
0xf: {  	s7 =	sadd.s32 $0xC000, s7;
	s31 =	smax.u32 s6, $0x1;
	[dreg:$0x6] =	wrdreg s29  }
0x10: {  	s9 =	simm.s32 $0x80;
	s30 =	sshrl.u32 s7, $0x3;
	[dreg:$0x8] =	wrdreg s31  }
0x11: {  	s25 =	simm.s32 $0x0;
	s7 =	sadd.s32 s0, s26;
	[dreg:$0x5] =	wrdreg s30  }
.LBB2_1:
0x12: {  	s0 =	rddreg [dreg:$0x7];
	s12 =	simm.s32 $0xB  }
0x13: {  	[tilespmem:s4], [sflag:$0xB] =	stream.linear.gather [hbm4b:s0+s4], $0x1900, $0x38;
	[tilespmem:$0x15C00] =	vst v63  }
0x14: {  	_ =	swait.ge [sflag:s12], $0x1900  }
0x15: {  	[sflag:s12] =	ssyncset.done $0x0  }
0x16: {  	p0 =	por $0x1, $0x1;
	[sflag:s12] =	ssyncadd.s32 $0xFFFFE700  }
0x17: {  	[tilespmem:s10], [sflag:$0x1] =	stream.indirect.gather [hbm4b:s2+s9], $0x80, s4, s9, $0xb8;
	[tilespmem:$0x15C00] =	vst v63  }
0x18: {  	p0 =	por p0, p0  }
0x19: {  	[tilespmem:s11], [sflag:$0x2] =	stream.indirect.gather [hbm4b:s2+s9], $0x80, s9, s9, $0xb8;
	[tilespmem:$0x15C00] =	vst v63  }
0x1a: {  	s13 =	simm.s32 $0x100;
	s3 =	simm.s32 $0x9C00;
	s0 =	simm.s32 @!p0 $0x9  }
0x1b: {  	[tilespmem:s3], [sflag:$0x3] =	stream.indirect.gather [hbm4b:s2+s9], $0x80, s13, s9, $0xb8;
	[tilespmem:$0x15C00] =	vst v63  }
0x1c: {  	_ =	swait.ge @!p0 [sflag:s0], $0x4000  }
0x1d: {  	[sflag:s0] =	ssyncset.done @!p0 $0x0  }
0x1e: {  	s20 =	simm.s32 $0x180;
	[sflag:s0] =	ssyncadd.s32 @!p0 $0xFFFFC000  }
0x1f: {  	[tilespmem:s14], [sflag:$0x4] =	stream.indirect.gather [hbm4b:s2+s9], $0x80, s20, s9, $0xb8;
	[tilespmem:$0x15C00] =	vst v63  }
0x20: {  	_ =	swait.ge [sflag:s15], $0x4000  }
0x21: {  	p0 =	por $0x1, $0x1;
	[sflag:s15] =	ssyncset.done $0x0  }
0x22: {  	s21 =	sadd.s32 s1, s7;
	s3 =	simm.s32 @!p0 $0xA;
	[sflag:s15] =	ssyncadd.s32 $0xFFFFC000  }
0x23: {  	[hbm4b:s21+s4] =	stream.linear.scatter [tilespmem:s10], [sflag:$0x6], $0x4000, $0x38;
	[tilespmem:$0x15C00] =	vst v63  }
0x24: {  	_ =	swait.ge @!p0 [sflag:s3], $0x4000  }
0x25: {  	[sflag:s3] =	ssyncset.done @!p0 $0x0  }
0x26: {  	s26 =	simm.s32 $0x200;
	[sflag:s3] =	ssyncadd.s32 @!p0 $0xFFFFC000  }
0x27: {  	[tilespmem:s16], [sflag:$0x5] =	stream.indirect.gather [hbm4b:s2+s9], $0x80, s26, s9, $0xb8;
	[tilespmem:$0x15C00] =	vst v63  }
0x28: {  	_ =	swait.ge [sflag:s17], $0x4000  }
0x29: {  	p0 =	por $0x0, $0x0;
	[sflag:s17] =	ssyncset.done $0x0  }
0x2a: {  	s0 =	sadd.s32 $0x800, s21;
	s3 =	simm.s32 @p0 $0x3;
	[sflag:s17] =	ssyncadd.s32 $0xFFFFC000  }
0x2b: {  	[hbm4b:s0+s4] =	stream.linear.scatter [tilespmem:s11], [sflag:$0x7], $0x4000, $0x38;
	[tilespmem:$0x15C00] =	vst v63  }
0x2c: {  	_ =	swait.ge @p0 [sflag:s3], $0x4000  }
0x2d: {  	s26 =	simm.s32 @p0 $0x9C00;
	s28 =	simm.s32 @!p0 $0x6;
	[sflag:s3] =	ssyncset.done @p0 $0x0  }
0x2e: {  	s0 =	rddreg [dreg:$0x4];
	[sflag:s3] =	ssyncadd.s32 @p0 $0xFFFFC000;
	s3 =	simm.s32 @p0 $0x0  }
0x2f: {  	[hbm4b:s0+s3] =	stream.linear.scatter @p0 [tilespmem:s26], [sflag:$0x8], $0x4000, $0x38;
	[tilespmem:$0x15C00] =	vst v63  }
0x30: {  	_ =	swait.ge @!p0 [sflag:s28], $0x4000  }
0x31: {  	s0 =	simm.s32 @!p0 $0x280;
	s3 =	simm.s32 @!p0 $0x80;
	[sflag:s28] =	ssyncset.done @!p0 $0x0  }
0x32: {  	s26 =	simm.s32 @!p0 $0x1C00;
	[sflag:s28] =	ssyncadd.s32 @!p0 $0xFFFFC000;
	s28 =	simm.s32 @!p0 $0x3  }
0x33: {  	[tilespmem:s26], [sflag:$0x1] =	stream.indirect.gather @!p0 [hbm4b:s2+s3], $0x80, s0, s3, $0xb8;
	[tilespmem:$0x15C00] =	vst v63  }
0x34: {  	s30 =	simm.s32 @!p0 $0x9C00;
	_ =	swait.ge @!p0 [sflag:s28], $0x4000  }
0x35: {  	s0 =	sadd.s32 @!p0 s1, s7;
	s26 =	simm.s32 @!p0 $0x0;
	[sflag:s28] =	ssyncset.done @!p0 $0x0  }
0x36: {  	s0 =	sadd.s32 @!p0 $0x1000, s0;
	[sflag:s28] =	ssyncadd.s32 @!p0 $0xFFFFC000;
	s28 =	simm.s32 @!p0 $0x7  }
0x37: {  	[hbm4b:s0+s26] =	stream.linear.scatter @!p0 [tilespmem:s30], [sflag:$0x8], $0x4000, $0x38;
	[tilespmem:$0x15C00] =	vst v63  }
0x38: {  	_ =	swait.ge @!p0 [sflag:s28], $0x4000  }
0x39: {  	[sflag:s28] =	ssyncset.done @!p0 $0x0  }
0x3a: {  	s0 =	simm.s32 @!p0 $0x300;
	s26 =	simm.s32 @!p0 $0x5C00;
	[sflag:s28] =	ssyncadd.s32 @!p0 $0xFFFFC000  }
0x3b: {  	[tilespmem:s26], [sflag:$0x2] =	stream.indirect.gather @!p0 [hbm4b:s2+s3], $0x80, s0, s3, $0xb8;
	[tilespmem:$0x15C00] =	vst v63  }
0x3c: {  	_ =	swait.ge [sflag:s18], $0x4000  }
0x3d: {  	s26 =	rddreg [dreg:$0x5];
	[sflag:s18] =	ssyncset.done $0x0  }
0x3e: {  	[sflag:s18] =	ssyncadd.s32 $0xFFFFC000;
	s0 =	sadd.s32 s1, s26;
	s26 =	simm.s32 @!p0 $0x8  }
0x3f: {  	[hbm4b:s0+s4] =	stream.linear.scatter [tilespmem:s14], [sflag:$0x9], $0x4000, $0x38;
	[tilespmem:$0x15C00] =	vst v63  }
0x40: {  	_ =	swait.ge @!p0 [sflag:s26], $0x4000  }
0x41: {  	s29 =	simm.s32 $0x3;
	p6 =	por $0x0, $0x0;
	[sflag:s26] =	ssyncset.done @!p0 $0x0  }
0x42: {  	s31 =	simm.s32 $0x1400;
	s0 =	simm.s32 @!p0 $0x380;
	[sflag:s26] =	ssyncadd.s32 @!p0 $0xFFFFC000  }
0x43: {  	[tilespmem:s30], [sflag:$0x3] =	stream.indirect.gather @!p0 [hbm4b:s2+s3], $0x80, s0, s3, $0xb8;
	[tilespmem:$0x15C00] =	vst v63  }
0x44: {  	s28 =	simm.s32 $0xA00;
	s26 =	sadd.s32 $0x2800, s1;
	_ =	swait.ge [sflag:s19], $0x4000  }
0x45: {  	p0 =	por p6, p6;
	s3 =	smov.u32 s1;
	[sflag:s19] =	ssyncset.done $0x0  }
0x46: {  	s30 =	simm.s32 $0x3;
	s0 =	rddreg [dreg:$0x6];
	[sflag:s19] =	ssyncadd.s32 $0xFFFFC000  }
.LBB2_2:
0x47: {  	s12 =	simm.s32 @!p0 $0x9;
	s13 =	sadd.s32 s3, s0  }
0x48: {  	[hbm4b:s13+s4] =	stream.linear.scatter [tilespmem:s16], [sflag:$0xA], $0x4000, $0x38;
	[tilespmem:$0x15C00] =	vst v63  }
0x49: {  	_ =	swait.ge @!p0 [sflag:s12], $0x4000  }
0x4a: {  	s6 =	sshra.s32 s28, $0x2;
	[sflag:s12] =	ssyncset.done @!p0 $0x0  }
0x4b: {  	s29 =	sadd.s32 $0x5, s29;
	s8 =	sadd.s32 $0x180, s6;
	[sflag:s12] =	ssyncadd.s32 @!p0 $0xFFFFC000  }
0x4c: {  	[tilespmem:s14], [sflag:$0x4] =	stream.indirect.gather [hbm4b:s2+s9], $0x80, s8, s9, $0xb8;
	[tilespmem:$0x15C00] =	vst v63  }
0x4d: {  	s20 =	sadd.s32 $0x1, s30;
	p2 =	sgt.u32 s29, $0x2C;
	_ =	swait.ge [sflag:s15], $0x4000  }
0x4e: {  	p0 =	por p2, p2;
	p2 =	sgt.u32 s20, $0x2C;
	[sflag:s15] =	ssyncset.done $0x0  }
0x4f: {  	s5 =	sadd.s32 s26, s7;
	s12 =	simm.s32 @!p2 $0xA;
	[sflag:s15] =	ssyncadd.s32 $0xFFFFC000  }
0x50: {  	[hbm4b:s5+s4] =	stream.linear.scatter [tilespmem:s10], [sflag:$0x6], $0x4000, $0x38;
	[tilespmem:$0x15C00] =	vst v63  }
0x51: {  	_ =	swait.ge @!p2 [sflag:s12], $0x4000  }
0x52: {  	[sflag:s12] =	ssyncset.done @!p2 $0x0  }
0x53: {  	s13 =	sadd.s32 $0x200, s6;
	[sflag:s12] =	ssyncadd.s32 @!p2 $0xFFFFC000  }
0x54: {  	[tilespmem:s16], [sflag:$0x5] =	stream.indirect.gather [hbm4b:s2+s9], $0x80, s13, s9, $0xb8;
	[tilespmem:$0x15C00] =	vst v63  }
0x55: {  	_ =	swait.ge [sflag:s17], $0x4000  }
0x56: {  	s5 =	sadd.s32 $0x800, s5;
	p2 =	seq.s32 s28, $0x5A00;
	[sflag:s17] =	ssyncset.done $0x0  }
0x57: {  	s12 =	simm.s32 @p2 $0x3;
	s13 =	sshra.s32 @!p2 s28, $0x2;
	[sflag:s17] =	ssyncadd.s32 $0xFFFFC000  }
0x58: {  	[hbm4b:s5+s4] =	stream.linear.scatter [tilespmem:s11], [sflag:$0x7], $0x4000, $0x38;
	[tilespmem:$0x15C00] =	vst v63  }
0x59: {  	s28 =	sadd.s32 @!p2 s26, s7;
	s20 =	simm.s32 @!p2 $0x6;
	_ =	swait.ge @p2 [sflag:s12], $0x4000  }
0x5a: {  	s8 =	sadd.s32 @!p2 $0x1000, s28;
	s28 =	simm.s32 @p2 $0x9C00;
	[sflag:s12] =	ssyncset.done @p2 $0x0  }
0x5b: {  	s6 =	rddreg [dreg:$0x4];
	[sflag:s12] =	ssyncadd.s32 @p2 $0xFFFFC000;
	s12 =	simm.s32 @p2 $0x0  }
0x5c: {  	[hbm4b:s6+s12] =	stream.linear.scatter @p2 [tilespmem:s28], [sflag:$0x8], $0x4000, $0x38;
	[tilespmem:$0x15C00] =	vst v63  }
0x5d: {  	s0 =	smov.u32 s31;
	s5 =	sadd.s32 @!p2 $0x280, s13;
	_ =	swait.ge @!p2 [sflag:s20], $0x4000  }
0x5e: {  	s28 =	smov.u32 s0;
	s0 =	simm.s32 @!p2 $0x80;
	[sflag:s20] =	ssyncset.done @!p2 $0x0  }
0x5f: {  	s6 =	simm.s32 @!p2 $0x1C00;
	s12 =	simm.s32 @!p2 $0x3;
	[sflag:s20] =	ssyncadd.s32 @!p2 $0xFFFFC000  }
0x60: {  	[tilespmem:s6], [sflag:$0x1] =	stream.indirect.gather @!p2 [hbm4b:s2+s0], $0x80, s5, s0, $0xb8;
	[tilespmem:$0x15C00] =	vst v63  }
0x61: {  	_ =	swait.ge @!p2 [sflag:s12], $0x4000  }
0x62: {  	s5 =	simm.s32 @!p2 $0x0;
	[sflag:s12] =	ssyncset.done @!p2 $0x0  }
0x63: {  	s6 =	simm.s32 @!p2 $0x9C00;
	[sflag:s12] =	ssyncadd.s32 @!p2 $0xFFFFC000;
	s12 =	simm.s32 @!p2 $0x7  }
0x64: {  	[hbm4b:s8+s5] =	stream.linear.scatter @!p2 [tilespmem:s6], [sflag:$0x8], $0x4000, $0x38;
	[tilespmem:$0x15C00] =	vst v63  }
0x65: {  	_ =	swait.ge @!p2 [sflag:s12], $0x4000  }
0x66: {  	[sflag:s12] =	ssyncset.done @!p2 $0x0  }
0x67: {  	s21 =	sadd.s32 @!p2 $0x300, s13;
	s5 =	simm.s32 @!p2 $0x5C00;
	[sflag:s12] =	ssyncadd.s32 @!p2 $0xFFFFC000  }
0x68: {  	[tilespmem:s5], [sflag:$0x2] =	stream.indirect.gather @!p2 [hbm4b:s2+s0], $0x80, s21, s0, $0xb8;
	[tilespmem:$0x15C00] =	vst v63  }
0x69: {  	_ =	swait.ge [sflag:s18], $0x4000  }
0x6a: {  	s21 =	rddreg [dreg:$0x5];
	[sflag:s18] =	ssyncset.done $0x0  }
0x6b: {  	s8 =	simm.s32 @!p2 $0x8;
	[sflag:s18] =	ssyncadd.s32 $0xFFFFC000;
	s5 =	sadd.s32 s26, s21  }
0x6c: {  	[hbm4b:s5+s4] =	stream.linear.scatter [tilespmem:s14], [sflag:$0x9], $0x4000, $0x38;
	[tilespmem:$0x15C00] =	vst v63  }
0x6d: {  	s31 =	sadd.s32 $0xA00, s31;
	_ =	swait.ge @!p2 [sflag:s8], $0x4000  }
0x6e: {  	p1 =	sne.s32 s31, $0x6400;
	[sflag:s8] =	ssyncset.done @!p2 $0x0  }
.Ltmp0:
0x6f: {  	s13 =	sadd.s32 @!p2 $0x380, s13;
	[sflag:s8] =	ssyncadd.s32 @!p2 $0xFFFFC000;
	(pc) =	sbr.rel @p1 .LBB2_2-.Ltmp0, $4  }
0x70: {  	[tilespmem:s6], [sflag:$0x3] =	stream.indirect.gather @!p2 [hbm4b:s2+s0], $0x80, s13, s0, $0xb8;
	[tilespmem:$0x15C00] =	vst v63  }
0x71: {  	_ =	swait.ge [sflag:s19], $0x4000  }
0x72: {  	s3 =	smov.u32 s26;
	s30 =	smov.u32 s29;
	[sflag:s19] =	ssyncset.done $0x0  }
0x73: {  	s26 =	sadd.s32 $0x2800, s26;
	s0 =	rddreg [dreg:$0x6];
	[sflag:s19] =	ssyncadd.s32 $0xFFFFC000  }
0x74: {  	s5 =	simm.s32 @!p0 $0x9;
	s0 =	sadd.s32 s3, s0  }
0x75: {  	[hbm4b:s0+s4] =	stream.linear.scatter [tilespmem:s16], [sflag:$0xA], $0x4000, $0x38;
	[tilespmem:$0x15C00] =	vst v63  }
0x76: {  	_ =	swait.ge @!p0 [sflag:s5], $0x4000  }
0x77: {  	s6 =	sshra.s32 s28, $0x2;
	[sflag:s5] =	ssyncset.done @!p0 $0x0  }
0x78: {  	s8 =	sadd.s32 $0x180, s6;
	[sflag:s5] =	ssyncadd.s32 @!p0 $0xFFFFC000  }
0x79: {  	[tilespmem:s14], [sflag:$0x4] =	stream.indirect.gather [hbm4b:s2+s9], $0x80, s8, s9, $0xb8;
	[tilespmem:$0x15C00] =	vst v63  }
0x7a: {  	s12 =	sadd.s32 $0x1, s30;
	_ =	swait.ge [sflag:s15], $0x4000  }
0x7b: {  	p0 =	sgt.u32 s12, $0x2C;
	[sflag:s15] =	ssyncset.done $0x0  }
0x7c: {  	s13 =	sadd.s32 s26, s7;
	s3 =	simm.s32 @!p0 $0xA;
	[sflag:s15] =	ssyncadd.s32 $0xFFFFC000  }
0x7d: {  	[hbm4b:s13+s4] =	stream.linear.scatter [tilespmem:s10], [sflag:$0x6], $0x4000, $0x38;
	[tilespmem:$0x15C00] =	vst v63  }
0x7e: {  	_ =	swait.ge @!p0 [sflag:s3], $0x4000  }
0x7f: {  	[sflag:s3] =	ssyncset.done @!p0 $0x0  }
0x80: {  	s0 =	sadd.s32 $0x200, s6;
	[sflag:s3] =	ssyncadd.s32 @!p0 $0xFFFFC000  }
0x81: {  	[tilespmem:s16], [sflag:$0x5] =	stream.indirect.gather [hbm4b:s2+s9], $0x80, s0, s9, $0xb8;
	[tilespmem:$0x15C00] =	vst v63  }
0x82: {  	_ =	swait.ge [sflag:s17], $0x4000  }
0x83: {  	p0 =	seq.s32 s28, $0x5A00;
	[sflag:s17] =	ssyncset.done $0x0  }
0x84: {  	s20 =	sadd.s32 $0x800, s13;
	s3 =	simm.s32 @p0 $0x3;
	[sflag:s17] =	ssyncadd.s32 $0xFFFFC000  }
0x85: {  	[hbm4b:s20+s4] =	stream.linear.scatter [tilespmem:s11], [sflag:$0x7], $0x4000, $0x38;
	[tilespmem:$0x15C00] =	vst v63  }
0x86: {  	_ =	swait.ge @p0 [sflag:s3], $0x4000  }
0x87: {  	s5 =	simm.s32 @p0 $0x9C00;
	s6 =	simm.s32 @!p0 $0x6;
	[sflag:s3] =	ssyncset.done @p0 $0x0  }
0x88: {  	s0 =	rddreg [dreg:$0x4];
	[sflag:s3] =	ssyncadd.s32 @p0 $0xFFFFC000;
	s3 =	simm.s32 @p0 $0x0  }
0x89: {  	[hbm4b:s0+s3] =	stream.linear.scatter @p0 [tilespmem:s5], [sflag:$0x8], $0x4000, $0x38;
	[tilespmem:$0x15C00] =	vst v63  }
0x8a: {  	s8 =	simm.s32 @!p0 $0x1C00;
	_ =	swait.ge @!p0 [sflag:s6], $0x4000  }
0x8b: {  	s0 =	sshra.s32 @!p0 s28, $0x2;
	s5 =	simm.s32 @!p0 $0x80;
	[sflag:s6] =	ssyncset.done @!p0 $0x0  }
0x8c: {  	s3 =	sadd.s32 @!p0 $0x280, s0;
	[sflag:s6] =	ssyncadd.s32 @!p0 $0xFFFFC000;
	s6 =	simm.s32 @!p0 $0x3  }
0x8d: {  	[tilespmem:s8], [sflag:$0x1] =	stream.indirect.gather @!p0 [hbm4b:s2+s5], $0x80, s3, s5, $0xb8;
	[tilespmem:$0x15C00] =	vst v63  }
0x8e: {  	_ =	swait.ge @!p0 [sflag:s6], $0x4000  }
0x8f: {  	s3 =	sadd.s32 @!p0 s26, s7;
	s8 =	simm.s32 @!p0 $0x0;
	[sflag:s6] =	ssyncset.done @!p0 $0x0  }
0x90: {  	s3 =	sadd.s32 @!p0 $0x1000, s3;
	[sflag:s6] =	ssyncadd.s32 @!p0 $0xFFFFC000;
	s6 =	simm.s32 @!p0 $0x9C00  }
0x91: {  	[hbm4b:s3+s8] =	stream.linear.scatter @!p0 [tilespmem:s6], [sflag:$0x8], $0x4000, $0x38;
	[tilespmem:$0x15C00] =	vst v63  }
0x92: {  	s3 =	simm.s32 @!p0 $0x7  }
0x93: {  	_ =	swait.ge @!p0 [sflag:s3], $0x4000  }
0x94: {  	[sflag:s3] =	ssyncset.done @!p0 $0x0  }
0x95: {  	s8 =	sadd.s32 @!p0 $0x300, s0;
	[sflag:s3] =	ssyncadd.s32 @!p0 $0xFFFFC000;
	s3 =	simm.s32 @!p0 $0x5C00  }
0x96: {  	[tilespmem:s3], [sflag:$0x2] =	stream.indirect.gather @!p0 [hbm4b:s2+s5], $0x80, s8, s5, $0xb8;
	[tilespmem:$0x15C00] =	vst v63  }
0x97: {  	_ =	swait.ge [sflag:s18], $0x4000  }
0x98: {  	s21 =	rddreg [dreg:$0x5];
	[sflag:s18] =	ssyncset.done $0x0  }
0x99: {  	[sflag:s18] =	ssyncadd.s32 $0xFFFFC000;
	s3 =	sadd.s32 s26, s21  }
0x9a: {  	[hbm4b:s3+s4] =	stream.linear.scatter [tilespmem:s14], [sflag:$0x9], $0x4000, $0x38;
	[tilespmem:$0x15C00] =	vst v63  }
0x9b: {  	s3 =	simm.s32 @!p0 $0x8  }
0x9c: {  	_ =	swait.ge @!p0 [sflag:s3], $0x4000  }
0x9d: {  	[sflag:s3] =	ssyncset.done @!p0 $0x0  }
0x9e: {  	s0 =	sadd.s32 @!p0 $0x380, s0;
	[sflag:s3] =	ssyncadd.s32 @!p0 $0xFFFFC000  }
0x9f: {  	[tilespmem:s6], [sflag:$0x3] =	stream.indirect.gather @!p0 [hbm4b:s2+s5], $0x80, s0, s5, $0xb8;
	[tilespmem:$0x15C00] =	vst v63  }
0xa0: {  	_ =	swait.ge [sflag:s19], $0x4000  }
0xa1: {  	s28 =	rddreg [dreg:$0x6];
	[sflag:s19] =	ssyncset.done $0x0  }
0xa2: {  	s29 =	simm.s32 $0x6;
	s0 =	sadd.s32 s26, s28;
	[sflag:s19] =	ssyncadd.s32 $0xFFFFC000  }
0xa3: {  	[hbm4b:s0+s4] =	stream.linear.scatter [tilespmem:s16], [sflag:$0xA], $0x4000, $0x38;
	[tilespmem:$0x15C00] =	vst v63  }
0xa4: {  	_ =	swait.ge [sflag:s29], $0x4000  }
0xa5: {  	[sflag:s29] =	ssyncset.done $0x0  }
0xa6: {  	s30 =	simm.s32 $0x7;
	[sflag:s29] =	ssyncadd.s32 $0xFFFFC000  }
0xa7: {  	_ =	swait.ge [sflag:s30], $0x4000  }
0xa8: {  	[sflag:s30] =	ssyncset.done $0x0  }
0xa9: {  	[sflag:s30] =	ssyncadd.s32 $0xFFFFC000  }
0xaa: {  	_ =	swait.ge [sflag:s22], $0x4000  }
0xab: {  	[sflag:s22] =	ssyncset.done $0x0  }
0xac: {  	[sflag:s22] =	ssyncadd.s32 $0xFFFFC000  }
0xad: {  	_ =	swait.ge [sflag:s23], $0x4000  }
0xae: {  	[sflag:s23] =	ssyncset.done $0x0  }
0xaf: {  	[sflag:s23] =	ssyncadd.s32 $0xFFFFC000  }
0xb0: {  	_ =	swait.ge [sflag:s24], $0x4000  }
0xb1: {  	s25 =	sadd.s32 $0x1, s25;
	s31 =	rddreg [dreg:$0x8]  }
0xb2: {  	p0 =	sne.s32 s25, s31  }
.Ltmp1:
0xb3: {  	_ = 	snop;
	(pc) =	sbr.rel @p0 .LBB2_1-.Ltmp1, $3  }
0xb4: {  	_ =	sdelay $0x1  }
0xb5: {  	[sflag:s24] =	ssyncset.done $0x0  }
0xb6: {  	[sflag:s24] =	ssyncadd.s32 $0xFFFFC000  }
0xb7: {  	_ =	sfence.sel $0x180000  }
0xb8: {  	[bflag:$0x0] =	sbarrier.arrive $0xFFFF  }
0xb9: {  	_ =	strace $0x90000047  }
0xba: {  	s0 =	stileid.u32;
	[bflag:$0x2] =	sbarrier.arrive $0xFFFF  }
0xbb: {  	p0 =	sne.s32 s0, $0x0;
	s0 =	rddreg [dreg:$0x3]  }
0xbc: {  	s0 =	sadd.s32 @!p0 $0x100000, s0  }
0xbd: {  	[sflag:s0] =	ssyncadd.tile.s32 @!p0 $0x1;
	_ =	shalt  }
.Lfunc_end2:
_tile_overlayer_lowered:
.L_overlay_start_2:
0xbe: {  	(tag) =	ssettag $0x2  }
0xbf: {  	s0 =	rddreg [dreg:$0x0];
	s2 =	stileid.u32  }
0xc0: {  	s1 =	rddreg [dreg:$0x1];
	p0 =	sne.s32 s2, $0x0  }
0xc1: {  	s3 =	rddreg [dreg:$0x2];
	[bflag:$0x3] =	sbarrier.arrive $0xFFFF;
	s2 =	simm.s32 @!p0 $0x1C0B  }
0xc2: {  	[timem:s3], [sflag:s2] =	dma.local @!p0 [hbm:s0], s1  }
0xc3: {  	s0 =	simm.s32 @!p0 $0xB  }
0xc4: {  	_ =	swait.ge @!p0 [sflag:s0], s1  }
0xc5: {  	s1 =	ssub.s32 @!p0 $0x0, s1;
	[sflag:s0] =	ssyncset.done @!p0 $0x0  }
0xc6: {  	[sflag:s0] =	ssyncadd.s32 @!p0 s1  }
0xc7: {  	[bflag:$0x3] =	sbarrier.arrive $0xFFFF  }
0xc8: {  	_ =	shalt  }

</sc_bundles>
